<compile_context>
chip_gen: v7x
topology: tpu7x:2x2x1
jax: 0.10.2.dev20260603
libtpu: 0.0.44.dev20260713+nightly
codegen_flags: <defaults>
</compile_context>

<pallas_src>
import functools

import jax
import jax.numpy as jnp
from jax import lax
from jax.experimental import pallas as pl
from jax.experimental.pallas import tpu as pltpu
from jax.experimental.pallas import tpu_sc as plsc

N_NODES = 10000
N_EDGES = 320000
D = 128

NC = 2
NS = 16
NW = NC * NS

EDGES_PER_TILE = N_EDGES // NS
CHUNK = 80
N_CHUNKS = EDGES_PER_TILE // CHUNK
NBUF = 5
LOOK_G = 3
LOOK_I = 4

ROWS_PER_CORE = N_NODES // NC
DUMP_ROWS = 64
ACC_ROWS = ROWS_PER_CORE + DUMP_ROWS
ROWS_PER_TILE = 312
ZROWS = 104
TAIL_ROWS = ROWS_PER_CORE - NS * ROWS_PER_TILE
TAIL_OFF = NS * ROWS_PER_TILE


def _sc_aggregate(features, src, tgt):
    mesh = plsc.VectorSubcoreMesh(core_axis_name="c", subcore_axis_name="s")

    @functools.partial(
        pl.kernel,
        mesh=mesh,
        out_type=jax.ShapeDtypeStruct((N_NODES, D), jnp.float32),
        scratch_types=(
            [pltpu.VMEM((CHUNK,), jnp.int32) for _ in range(NBUF)]
            + [pltpu.VMEM((CHUNK,), jnp.int32) for _ in range(NBUF)]
            + [pltpu.VMEM((CHUNK,), jnp.int32) for _ in range(NBUF)]
            + [pltpu.VMEM((CHUNK, D), jnp.float32) for _ in range(NBUF)]
            + [pltpu.VMEM((ZROWS, D), jnp.float32)]
            + [pltpu.VMEM_SHARED((ACC_ROWS, D), jnp.float32)]
            + [pltpu.SemaphoreType.DMA] * (4 * NBUF)
        ),
    )
    def agg_kernel(feat_hbm, src_hbm, tgt_hbm, out_hbm, *scratch):
        idx_t = scratch[0:NBUF]
        idx_r = scratch[NBUF:2 * NBUF]
        idx_s = scratch[2 * NBUF:3 * NBUF]
        rows = scratch[3 * NBUF:4 * NBUF]
        zbuf = scratch[4 * NBUF]
        agg_sh = scratch[4 * NBUF + 1]
        sems = scratch[4 * NBUF + 2:]
        isem_t = sems[0:NBUF]
        isem_s = sems[NBUF:2 * NBUF]
        gsem = sems[2 * NBUF:3 * NBUF]
        ssem = sems[3 * NBUF:4 * NBUF]

        c = lax.axis_index("c")
        s = lax.axis_index("s")
        row_base = c * ROWS_PER_CORE
        base_e = s * EDGES_PER_TILE

        def zloop(i, carry):
            zbuf[i // 8, pl.ds((i % 8) * 16, 16)] = jnp.zeros((16,), jnp.float32)
            return carry
        lax.fori_loop(0, ZROWS * 8, zloop, 0)
        r0 = s * ROWS_PER_TILE
        for p in range(ROWS_PER_TILE // ZROWS):
            pltpu.sync_copy(zbuf, agg_sh.at[pl.ds(r0 + p * ZROWS, ZROWS)])

        @pl.when(s == 0)
        def _zero_tail():
            pltpu.sync_copy(zbuf.at[pl.ds(0, TAIL_ROWS)],
                            agg_sh.at[pl.ds(TAIL_OFF, TAIL_ROWS)])

        plsc.subcore_barrier()

        stagger = c * (N_CHUNKS // 2)

        def fire_idx(g, q):
            gs = lax.rem(g + stagger, N_CHUNKS)
            off = base_e + gs * CHUNK
            pltpu.async_copy(tgt_hbm.at[pl.ds(off, CHUNK)], idx_t[q], isem_t[q])
            pltpu.async_copy(src_hbm.at[pl.ds(off, CHUNK)], idx_r[q], isem_s[q])

        def fire_gather(g, q):
            pltpu.make_async_copy(tgt_hbm.at[pl.ds(0, CHUNK)], idx_t[q],
                                  isem_t[q]).wait()
            pltpu.async_copy(feat_hbm.at[idx_t[q]], rows[q], gsem[q])
            pltpu.make_async_copy(src_hbm.at[pl.ds(0, CHUNK)], idx_r[q],
                                  isem_s[q]).wait()
            for j in range(CHUNK // 16):
                v = idx_r[q][pl.ds(j * 16, 16)]
                local = v - row_base
                inb = jnp.logical_and(local >= 0, local < ROWS_PER_CORE)
                dump = ROWS_PER_CORE + jnp.bitwise_and(v, DUMP_ROWS - 1)
                idx_s[q][pl.ds(j * 16, 16)] = jnp.where(inb, local, dump)

        def drain_scatter(q):
            pltpu.make_async_copy(rows[q], agg_sh.at[idx_s[q]], ssem[q]).wait()

        for g in range(LOOK_I):
            fire_idx(g, g % NBUF)
        for g in range(LOOK_G):
            fire_gather(g, g % NBUF)

        def step(gc, j):
            g4 = gc + LOOK_I
            q4 = (j + LOOK_I) % NBUF
            g2 = gc + LOOK_G
            q2 = (j + LOOK_G) % NBUF

            @pl.when(g4 < N_CHUNKS)
            def _prefetch_idx():
                fire_idx(g4, q4)

            @pl.when(g2 < N_CHUNKS)
            def _prefetch_rows():
                @pl.when(g2 >= NBUF)
                def _drain():
                    drain_scatter(q2)
                fire_gather(g2, q2)

            pltpu.make_async_copy(feat_hbm.at[idx_t[j]], rows[j],
                                  gsem[j]).wait()
            pltpu.async_copy(rows[j], agg_sh.at[idx_s[j]], ssem[j], add=True)

        def eloop(m, carry):
            for j in range(NBUF):
                step(m * NBUF + j, j)
            return carry
        lax.fori_loop(0, N_CHUNKS // NBUF, eloop, 0)
        for q in range(NBUF):
            drain_scatter(q)

        plsc.subcore_barrier()

        for p in range(ROWS_PER_TILE // ZROWS):
            pltpu.sync_copy(agg_sh.at[pl.ds(r0 + p * ZROWS, ZROWS)], zbuf)
            pltpu.sync_copy(zbuf, out_hbm.at[pl.ds(row_base + r0 + p * ZROWS, ZROWS)])

        @pl.when(s == 0)
        def _copy_tail():
            pltpu.sync_copy(agg_sh.at[pl.ds(TAIL_OFF, TAIL_ROWS)],
                            zbuf.at[pl.ds(0, TAIL_ROWS)])
            pltpu.sync_copy(zbuf.at[pl.ds(0, TAIL_ROWS)],
                            out_hbm.at[pl.ds(row_base + TAIL_OFF, TAIL_ROWS)])

    return agg_kernel(features, src, tgt)


def _tc_dense(features, agg, W1, W2, b, gamma, beta):
    def body(x_ref, a_ref, w1_ref, w2_ref, b_ref, g_ref, be_ref, o_ref):
        x = x_ref[...]
        a = a_ref[...]
        dn = (((1,), (1,)), ((), ()))
        y = lax.dot_general(x, w1_ref[...], dn, preferred_element_type=jnp.float32)
        y = y + lax.dot_general(a, w2_ref[...], dn, preferred_element_type=jnp.float32)
        y = jnp.maximum(y + b_ref[...], 0.0)
        inv_n = 1.0 / N_NODES
        mean = jnp.sum(y, axis=0, keepdims=True) * inv_n
        var = jnp.sum(y * y, axis=0, keepdims=True) * inv_n - mean * mean
        scale = g_ref[...] / jnp.sqrt(var + 1e-5)
        shift = be_ref[...] - mean * scale
        z = y * scale + shift
        rn = jnp.sqrt(jnp.sum(z * z, axis=1, keepdims=True))
        o_ref[...] = z / (rn + 1e-6)

    return pl.pallas_call(
        body,
        out_shape=jax.ShapeDtypeStruct((N_NODES, D), jnp.float32),
    )(features, agg, W1, W2, b, gamma, beta)


def kernel(features, edge_index, W, b, gamma, beta):
    ei = edge_index.astype(jnp.int32)
    src = ei[0]
    tgt = ei[1]
    agg = _sc_aggregate(features, src, tgt)
    W1 = W[:, :D]
    W2 = W[:, D:]
    out = _tc_dense(features, agg, W1, W2,
                    b.reshape(1, D), gamma.reshape(1, D), beta.reshape(1, D))
    return out

# --- scband reference (transcript-rebuilt; emitter-appended) ---
"""Pipeline reference for scband-sageconv-78580721648259 (READ-ONLY COPY).

The authoritative reference and input builder live on the scoring server;
editing this copy changes nothing except your own understanding.
"""

import jax, jax.numpy as jnp
import numpy as np

N_NODES = 10000
N_EDGES = 320000
D = 128

def setup_inputs(seed: int = 0) -> dict:
    key = jax.random.key(seed)
    k1, k2, k3 = jax.random.split(key, 3)
    features = jax.random.normal(k1, (N_NODES, D), dtype=jnp.float32)
    edge_index = jax.random.randint(k2, (2, N_EDGES), 0, N_NODES, dtype=jnp.int64)
    W = jax.random.normal(k3, (D, 2 * D), dtype=jnp.float32) * (1.0 / np.sqrt(2 * D))
    b = jnp.zeros((D,), dtype=jnp.float32)
    gamma = jnp.ones((D,), dtype=jnp.float32)
    beta = jnp.zeros((D,), dtype=jnp.float32)
    return {"features": features, "edge_index": edge_index, "W": W, "b": b, "gamma": gamma, "beta": beta}

def reference(features, edge_index, W, b, gamma, beta):
    sources = edge_index[0]
    targets = edge_index[1]
    # scatter-add: aggregate neighbor features (features[targets]) into source rows
    gathered = jnp.take(features, targets, axis=0)
    aggregated = jnp.zeros_like(features).at[sources].add(gathered)
    out = jnp.concatenate([features, aggregated], axis=1)
    # Linear: (N, 2D) @ (2D, D)^T via W of shape (D, 2D)
    out = out @ W.T + b
    out = jax.nn.relu(out)
    # BatchNorm1d (training-mode batch statistics, eps=1e-5)
    mean = jnp.mean(out, axis=0, keepdims=True)
    var = jnp.var(out, axis=0, keepdims=True)
    out = (out - mean) / jnp.sqrt(var + 1e-5) * gamma + beta
    # Dropout is identity in deterministic/eval reference
    norm = jnp.linalg.norm(out, axis=1, keepdims=True)
    out = out / (norm + 1e-6)
    return out

if __name__ == "__main__":
    import jax
    _d = setup_inputs()
    print(jax.jit(kernel)(*tuple(_d.values())))

</pallas_src>

<mosaic_0001>
#map = affine_map<(d0, d1) -> (0, 0)>
#map1 = affine_map<(d0, d1) -> (0)>
module attributes {stable_mosaic.version = 14 : i64} {
  func.func @agg_kernel(%arg0: i32, %arg1: i32, %arg2: memref<10000x128xf32, #tpu.memory_space<hbm>>, %arg3: memref<320000xi32, #tpu.memory_space<hbm>>, %arg4: memref<320000xi32, #tpu.memory_space<hbm>>, %arg5: memref<10000x128xf32, #tpu.memory_space<hbm>>, %arg6: memref<80xi32, #tpu.memory_space<vmem>>, %arg7: memref<80xi32, #tpu.memory_space<vmem>>, %arg8: memref<80xi32, #tpu.memory_space<vmem>>, %arg9: memref<80xi32, #tpu.memory_space<vmem>>, %arg10: memref<80xi32, #tpu.memory_space<vmem>>, %arg11: memref<80xi32, #tpu.memory_space<vmem>>, %arg12: memref<80xi32, #tpu.memory_space<vmem>>, %arg13: memref<80xi32, #tpu.memory_space<vmem>>, %arg14: memref<80xi32, #tpu.memory_space<vmem>>, %arg15: memref<80xi32, #tpu.memory_space<vmem>>, %arg16: memref<80xi32, #tpu.memory_space<vmem>>, %arg17: memref<80xi32, #tpu.memory_space<vmem>>, %arg18: memref<80xi32, #tpu.memory_space<vmem>>, %arg19: memref<80xi32, #tpu.memory_space<vmem>>, %arg20: memref<80xi32, #tpu.memory_space<vmem>>, %arg21: memref<80x128xf32, #tpu.memory_space<vmem>>, %arg22: memref<80x128xf32, #tpu.memory_space<vmem>>, %arg23: memref<80x128xf32, #tpu.memory_space<vmem>>, %arg24: memref<80x128xf32, #tpu.memory_space<vmem>>, %arg25: memref<80x128xf32, #tpu.memory_space<vmem>>, %arg26: memref<104x128xf32, #tpu.memory_space<vmem>>, %arg27: memref<5064x128xf32, #tpu.memory_space<vmem_shared>>, %arg28: memref<!tpu.dma_semaphore, #tpu.memory_space<semaphore_mem>>, %arg29: memref<!tpu.dma_semaphore, #tpu.memory_space<semaphore_mem>>, %arg30: memref<!tpu.dma_semaphore, #tpu.memory_space<semaphore_mem>>, %arg31: memref<!tpu.dma_semaphore, #tpu.memory_space<semaphore_mem>>, %arg32: memref<!tpu.dma_semaphore, #tpu.memory_space<semaphore_mem>>, %arg33: memref<!tpu.dma_semaphore, #tpu.memory_space<semaphore_mem>>, %arg34: memref<!tpu.dma_semaphore, #tpu.memory_space<semaphore_mem>>, %arg35: memref<!tpu.dma_semaphore, #tpu.memory_space<semaphore_mem>>, %arg36: memref<!tpu.dma_semaphore, #tpu.memory_space<semaphore_mem>>, %arg37: memref<!tpu.dma_semaphore, #tpu.memory_space<semaphore_mem>>, %arg38: memref<!tpu.dma_semaphore, #tpu.memory_space<semaphore_mem>>, %arg39: memref<!tpu.dma_semaphore, #tpu.memory_space<semaphore_mem>>, %arg40: memref<!tpu.dma_semaphore, #tpu.memory_space<semaphore_mem>>, %arg41: memref<!tpu.dma_semaphore, #tpu.memory_space<semaphore_mem>>, %arg42: memref<!tpu.dma_semaphore, #tpu.memory_space<semaphore_mem>>, %arg43: memref<!tpu.dma_semaphore, #tpu.memory_space<semaphore_mem>>, %arg44: memref<!tpu.dma_semaphore, #tpu.memory_space<semaphore_mem>>, %arg45: memref<!tpu.dma_semaphore, #tpu.memory_space<semaphore_mem>>, %arg46: memref<!tpu.dma_semaphore, #tpu.memory_space<semaphore_mem>>, %arg47: memref<!tpu.dma_semaphore, #tpu.memory_space<semaphore_mem>>) attributes {dimension_semantics = [#tpu.dimension_semantics<core_parallel>, #tpu.dimension_semantics<subcore_parallel>], iteration_bounds = array<i64: 2, 16>, scalar_prefetch = 0 : i64, scratch_operands = 42 : i64, tpu.core_type = #tpu.core_type<sc_vector_subcore>, window_params = [{transform_indices = #map}, {transform_indices = #map1}, {transform_indices = #map1}, {transform_indices = #map}]} {
    %mul3A = arith.constant 5000 : i32
    %mul3A_0 = arith.muli %arg0, %mul3A : i32
    %mul3A_1 = arith.constant 20000 : i32
    %mul3A_2 = arith.muli %arg1, %mul3A_1 : i32
    %scan3A = arith.constant 0 : i32
    %scan3A_3 = arith.constant 0 : i32
    %scan3A_4 = arith.constant 832 : i32
    %scan3A_5 = arith.addi %scan3A_3, %scan3A_4 : i32
    %scan3A_6 = arith.constant 1 : i32
    scf.for %scan3A_473 = %scan3A_3 to %scan3A_5 step %scan3A_6  : i32 {
      %broadcast_in_dim3A = arith.constant 0.000000e+00 : f32
      %broadcast_in_dim3A_474 = vector.broadcast %broadcast_in_dim3A : f32 to vector<16xf32>
      %jit3A = arith.constant 8 : i32
      %div3A = arith.divsi %scan3A_473, %jit3A : i32
      %sign3A = arith.constant 0 : i32
      %sign3A_475 = arith.cmpi sgt, %scan3A_473, %sign3A : i32
      %sign3A_476 = arith.extui %sign3A_475 : i1 to i32
      %sign3A_477 = arith.constant 0 : i32
      %sign3A_478 = arith.cmpi slt, %scan3A_473, %sign3A_477 : i32
      %sign3A_479 = arith.extui %sign3A_478 : i1 to i32
      %sign3A_480 = arith.subi %sign3A_476, %sign3A_479 : i32
      %sign3A_481 = arith.constant 0 : i32
      %sign3A_482 = arith.cmpi sgt, %jit3A, %sign3A_481 : i32
      %sign3A_483 = arith.extui %sign3A_482 : i1 to i32
      %sign3A_484 = arith.constant 0 : i32
      %sign3A_485 = arith.cmpi slt, %jit3A, %sign3A_484 : i32
      %sign3A_486 = arith.extui %sign3A_485 : i1 to i32
      %sign3A_487 = arith.subi %sign3A_483, %sign3A_486 : i32
      %ne3A = arith.cmpi ne, %sign3A_480, %sign3A_487 : i32
      %rem3A_488 = arith.remsi %scan3A_473, %jit3A : i32
      %ne3A_489 = arith.constant 0 : i32
      %ne3A_490 = arith.cmpi ne, %rem3A_488, %ne3A_489 : i32
      %and3A_491 = arith.andi %ne3A, %ne3A_490 : i1
      %sub3A_492 = arith.constant 1 : i32
      %sub3A_493 = arith.subi %div3A, %sub3A_492 : i32
      %select_n3A_494 = arith.select %and3A_491, %sub3A_493, %div3A : i32
      %jit3A_495 = arith.constant 8 : i32
      %eq3A_496 = arith.constant 0 : i32
      %eq3A_497 = arith.cmpi eq, %jit3A_495, %eq3A_496 : i32
      %jit3A_498 = arith.constant 1 : i32
      %select_n3A_499 = arith.select %eq3A_497, %jit3A_498, %jit3A_495 : i32
      %rem3A_500 = arith.remsi %scan3A_473, %select_n3A_499 : i32
      %ne3A_501 = arith.constant 0 : i32
      %ne3A_502 = arith.cmpi ne, %rem3A_500, %ne3A_501 : i32
      %lt3A_503 = arith.constant 0 : i32
      %lt3A_504 = arith.cmpi slt, %rem3A_500, %lt3A_503 : i32
      %lt3A_505 = arith.constant 0 : i32
      %lt3A_506 = arith.cmpi slt, %select_n3A_499, %lt3A_505 : i32
      %ne3A_507 = arith.xori %lt3A_504, %lt3A_506 : i1
      %and3A_508 = arith.andi %ne3A_507, %ne3A_502 : i1
      %add3A_509 = arith.addi %rem3A_500, %select_n3A_499 : i32
      %select_n3A_510 = arith.select %and3A_508, %add3A_509, %rem3A_500 : i32
      %mul3A_511 = arith.constant 16 : i32
      %mul3A_512 = arith.muli %select_n3A_510, %mul3A_511 : i32
      %swap3A_513 = arith.index_cast %select_n3A_494 : i32 to index
      %swap3A_514 = arith.index_cast %mul3A_512 : i32 to index
      %swap3A_515 = tpu.vector_load %arg26[%swap3A_513, %swap3A_514] {strides = array<i32>} : memref<104x128xf32, #tpu.memory_space<vmem>>, vector<1x16xf32>,
      %swap3A_516 = vector.shape_cast %swap3A_515 : vector<1x16xf32> to vector<16xf32>
      %swap3A_517 = vector.shape_cast %broadcast_in_dim3A_474 : vector<16xf32> to vector<1x16xf32>
      tpu.vector_store %arg26[%swap3A_513, %swap3A_514], %swap3A_517 {strides = array<i32>} : memref<104x128xf32, #tpu.memory_space<vmem>>, vector<1x16xf32>,
    }
    %scan3A_7 = arith.constant 832 : i32
    %mul3A_8 = arith.constant 312 : i32
    %mul3A_9 = arith.muli %arg1, %mul3A_8 : i32
    %add3A = arith.constant 0 : i32
    %add3A_10 = arith.addi %mul3A_9, %add3A : i32
    "tpu.region"() ({
      %run_scoped3A = tpu.sem_alloc : memref<!tpu.dma_semaphore, #tpu.memory_space<semaphore_mem>>
      %dma_start3A_473 = arith.constant 0 : i32
      %dma_start3A_474 = tpu.memref_slice %arg27[%add3A_10, %dma_start3A_473] : memref<5064x128xf32, #tpu.memory_space<vmem_shared>> -> memref<104x128xf32, #tpu.memory_space<vmem_shared>>
      %dma_start3A_475 = arith.constant 0 : i32
      %dma_start3A_476 = tpu.memref_slice %arg27[%add3A_10, %dma_start3A_475] : memref<5064x128xf32, #tpu.memory_space<vmem_shared>> -> memref<104x128xf32, #tpu.memory_space<vmem_shared>>
      tpu.enqueue_dma source(%arg26 : memref<104x128xf32, #tpu.memory_space<vmem>>) target(%dma_start3A_476 : memref<104x128xf32, #tpu.memory_space<vmem_shared>>) target_semaphore(%run_scoped3A : memref<!tpu.dma_semaphore, #tpu.memory_space<semaphore_mem>>)
      %dma_wait3A_477 = arith.constant 0 : i32
      %dma_wait3A_478 = tpu.memref_slice %arg27[%add3A_10, %dma_wait3A_477] : memref<5064x128xf32, #tpu.memory_space<vmem_shared>> -> memref<104x128xf32, #tpu.memory_space<vmem_shared>>
      %dma_wait3A_479 = arith.constant 0 : i32
      %dma_wait3A_480 = tpu.memref_slice %arg27[%add3A_10, %dma_wait3A_479] : memref<5064x128xf32, #tpu.memory_space<vmem_shared>> -> memref<104x128xf32, #tpu.memory_space<vmem_shared>>
      tpu.wait_dma2 semaphore(%run_scoped3A : memref<!tpu.dma_semaphore, #tpu.memory_space<semaphore_mem>>) src(%arg26 : memref<104x128xf32, #tpu.memory_space<vmem>>) dst(%dma_wait3A_480 : memref<104x128xf32, #tpu.memory_space<vmem_shared>>)
      tpu.yield
    }) : () -> ()
    %add3A_11 = arith.constant 104 : i32
    %add3A_12 = arith.addi %mul3A_9, %add3A_11 : i32
    "tpu.region"() ({
      %run_scoped3A = tpu.sem_alloc : memref<!tpu.dma_semaphore, #tpu.memory_space<semaphore_mem>>
      %dma_start3A_473 = arith.constant 0 : i32
      %dma_start3A_474 = tpu.memref_slice %arg27[%add3A_12, %dma_start3A_473] : memref<5064x128xf32, #tpu.memory_space<vmem_shared>> -> memref<104x128xf32, #tpu.memory_space<vmem_shared>>
      %dma_start3A_475 = arith.constant 0 : i32
      %dma_start3A_476 = tpu.memref_slice %arg27[%add3A_12, %dma_start3A_475] : memref<5064x128xf32, #tpu.memory_space<vmem_shared>> -> memref<104x128xf32, #tpu.memory_space<vmem_shared>>
      tpu.enqueue_dma source(%arg26 : memref<104x128xf32, #tpu.memory_space<vmem>>) target(%dma_start3A_476 : memref<104x128xf32, #tpu.memory_space<vmem_shared>>) target_semaphore(%run_scoped3A : memref<!tpu.dma_semaphore, #tpu.memory_space<semaphore_mem>>)
      %dma_wait3A_477 = arith.constant 0 : i32
      %dma_wait3A_478 = tpu.memref_slice %arg27[%add3A_12, %dma_wait3A_477] : memref<5064x128xf32, #tpu.memory_space<vmem_shared>> -> memref<104x128xf32, #tpu.memory_space<vmem_shared>>
      %dma_wait3A_479 = arith.constant 0 : i32
      %dma_wait3A_480 = tpu.memref_slice %arg27[%add3A_12, %dma_wait3A_479] : memref<5064x128xf32, #tpu.memory_space<vmem_shared>> -> memref<104x128xf32, #tpu.memory_space<vmem_shared>>
      tpu.wait_dma2 semaphore(%run_scoped3A : memref<!tpu.dma_semaphore, #tpu.memory_space<semaphore_mem>>) src(%arg26 : memref<104x128xf32, #tpu.memory_space<vmem>>) dst(%dma_wait3A_480 : memref<104x128xf32, #tpu.memory_space<vmem_shared>>)
      tpu.yield
    }) : () -> ()
    %add3A_13 = arith.constant 208 : i32
    %add3A_14 = arith.addi %mul3A_9, %add3A_13 : i32
    "tpu.region"() ({
      %run_scoped3A = tpu.sem_alloc : memref<!tpu.dma_semaphore, #tpu.memory_space<semaphore_mem>>
      %dma_start3A_473 = arith.constant 0 : i32
      %dma_start3A_474 = tpu.memref_slice %arg27[%add3A_14, %dma_start3A_473] : memref<5064x128xf32, #tpu.memory_space<vmem_shared>> -> memref<104x128xf32, #tpu.memory_space<vmem_shared>>
      %dma_start3A_475 = arith.constant 0 : i32
      %dma_start3A_476 = tpu.memref_slice %arg27[%add3A_14, %dma_start3A_475] : memref<5064x128xf32, #tpu.memory_space<vmem_shared>> -> memref<104x128xf32, #tpu.memory_space<vmem_shared>>
      tpu.enqueue_dma source(%arg26 : memref<104x128xf32, #tpu.memory_space<vmem>>) target(%dma_start3A_476 : memref<104x128xf32, #tpu.memory_space<vmem_shared>>) target_semaphore(%run_scoped3A : memref<!tpu.dma_semaphore, #tpu.memory_space<semaphore_mem>>)
      %dma_wait3A_477 = arith.constant 0 : i32
      %dma_wait3A_478 = tpu.memref_slice %arg27[%add3A_14, %dma_wait3A_477] : memref<5064x128xf32, #tpu.memory_space<vmem_shared>> -> memref<104x128xf32, #tpu.memory_space<vmem_shared>>
      %dma_wait3A_479 = arith.constant 0 : i32
      %dma_wait3A_480 = tpu.memref_slice %arg27[%add3A_14, %dma_wait3A_479] : memref<5064x128xf32, #tpu.memory_space<vmem_shared>> -> memref<104x128xf32, #tpu.memory_space<vmem_shared>>
      tpu.wait_dma2 semaphore(%run_scoped3A : memref<!tpu.dma_semaphore, #tpu.memory_space<semaphore_mem>>) src(%arg26 : memref<104x128xf32, #tpu.memory_space<vmem>>) dst(%dma_wait3A_480 : memref<104x128xf32, #tpu.memory_space<vmem_shared>>)
      tpu.yield
    }) : () -> ()
    %eq3A = arith.constant 0 : i32
    %eq3A_15 = arith.cmpi eq, %arg1, %eq3A : i32
    %convert_element_type3A = arith.extui %eq3A_15 : i1 to i32
    %cond3A = arith.constant 0 : i32
    %cond3A_16 = arith.cmpi ne, %convert_element_type3A, %cond3A : i32
    scf.if %cond3A_16 {
      "tpu.region"() ({
        %run_scoped3A = tpu.sem_alloc : memref<!tpu.dma_semaphore, #tpu.memory_space<semaphore_mem>>
        %dma_start3A_473 = arith.constant 0 : i32
        %dma_start3A_474 = arith.constant 0 : i32
        %dma_start3A_475 = tpu.memref_slice %arg26[%dma_start3A_473, %dma_start3A_474] : memref<104x128xf32, #tpu.memory_space<vmem>> -> memref<8x128xf32, #tpu.memory_space<vmem>>
        %dma_start3A_476 = arith.constant 4992 : i32
        %dma_start3A_477 = arith.constant 0 : i32
        %dma_start3A_478 = tpu.memref_slice %arg27[%dma_start3A_476, %dma_start3A_477] : memref<5064x128xf32, #tpu.memory_space<vmem_shared>> -> memref<8x128xf32, #tpu.memory_space<vmem_shared>>
        %dma_start3A_479 = arith.constant 4992 : i32
        %dma_start3A_480 = arith.constant 0 : i32
        %dma_start3A_481 = tpu.memref_slice %arg27[%dma_start3A_479, %dma_start3A_480] : memref<5064x128xf32, #tpu.memory_space<vmem_shared>> -> memref<8x128xf32, #tpu.memory_space<vmem_shared>>
        %dma_start3A_482 = arith.constant 0 : i32
        %dma_start3A_483 = arith.constant 0 : i32
        %dma_start3A_484 = tpu.memref_slice %arg26[%dma_start3A_482, %dma_start3A_483] : memref<104x128xf32, #tpu.memory_space<vmem>> -> memref<8x128xf32, #tpu.memory_space<vmem>>
        tpu.enqueue_dma source(%dma_start3A_484 : memref<8x128xf32, #tpu.memory_space<vmem>>) target(%dma_start3A_481 : memref<8x128xf32, #tpu.memory_space<vmem_shared>>) target_semaphore(%run_scoped3A : memref<!tpu.dma_semaphore, #tpu.memory_space<semaphore_mem>>)
        %dma_wait3A_485 = arith.constant 0 : i32
        %dma_wait3A_486 = arith.constant 0 : i32
        %dma_wait3A_487 = tpu.memref_slice %arg26[%dma_wait3A_485, %dma_wait3A_486] : memref<104x128xf32, #tpu.memory_space<vmem>> -> memref<8x128xf32, #tpu.memory_space<vmem>>
        %dma_wait3A_488 = arith.constant 4992 : i32
        %dma_wait3A_489 = arith.constant 0 : i32
        %dma_wait3A_490 = tpu.memref_slice %arg27[%dma_wait3A_488, %dma_wait3A_489] : memref<5064x128xf32, #tpu.memory_space<vmem_shared>> -> memref<8x128xf32, #tpu.memory_space<vmem_shared>>
        %dma_wait3A_491 = arith.constant 4992 : i32
        %dma_wait3A_492 = arith.constant 0 : i32
        %dma_wait3A_493 = tpu.memref_slice %arg27[%dma_wait3A_491, %dma_wait3A_492] : memref<5064x128xf32, #tpu.memory_space<vmem_shared>> -> memref<8x128xf32, #tpu.memory_space<vmem_shared>>
        %dma_wait3A_494 = arith.constant 0 : i32
        %dma_wait3A_495 = arith.constant 0 : i32
        %dma_wait3A_496 = tpu.memref_slice %arg26[%dma_wait3A_494, %dma_wait3A_495] : memref<104x128xf32, #tpu.memory_space<vmem>> -> memref<8x128xf32, #tpu.memory_space<vmem>>
        tpu.wait_dma2 semaphore(%run_scoped3A : memref<!tpu.dma_semaphore, #tpu.memory_space<semaphore_mem>>) src(%dma_wait3A_496 : memref<8x128xf32, #tpu.memory_space<vmem>>) dst(%dma_wait3A_493 : memref<8x128xf32, #tpu.memory_space<vmem_shared>>)
        tpu.yield
      }) : () -> ()
    } else {
    }
    %barrier3A = arith.constant 0 : index
    tpu.barrier barrier_id(%barrier3A)
    %mul3A_17 = arith.constant 125 : i32
    %mul3A_18 = arith.muli %arg0, %mul3A_17 : i32
    %add3A_19 = arith.constant 0 : i32
    %add3A_20 = arith.addi %add3A_19, %mul3A_18 : i32
    %rem3A = arith.constant 250 : i32
    %rem3A_21 = arith.remsi %add3A_20, %rem3A : i32
    %mul3A_22 = arith.constant 80 : i32
    %mul3A_23 = arith.muli %rem3A_21, %mul3A_22 : i32
    %add3A_24 = arith.addi %mul3A_2, %mul3A_23 : i32
    %dma_start3A = tpu.memref_slice %arg4[%add3A_24] : memref<320000xi32, #tpu.memory_space<hbm>> -> memref<80xi32, #tpu.memory_space<hbm>>
    %dma_start3A_25 = tpu.memref_slice %arg4[%add3A_24] : memref<320000xi32, #tpu.memory_space<hbm>> -> memref<80xi32, #tpu.memory_space<hbm>>
    tpu.enqueue_dma source(%dma_start3A_25 : memref<80xi32, #tpu.memory_space<hbm>>) target(%arg6 : memref<80xi32, #tpu.memory_space<vmem>>) target_semaphore(%arg28 : memref<!tpu.dma_semaphore, #tpu.memory_space<semaphore_mem>>)
    %dma_start3A_26 = tpu.memref_slice %arg3[%add3A_24] : memref<320000xi32, #tpu.memory_space<hbm>> -> memref<80xi32, #tpu.memory_space<hbm>>
    %dma_start3A_27 = tpu.memref_slice %arg3[%add3A_24] : memref<320000xi32, #tpu.memory_space<hbm>> -> memref<80xi32, #tpu.memory_space<hbm>>
    tpu.enqueue_dma source(%dma_start3A_27 : memref<80xi32, #tpu.memory_space<hbm>>) target(%arg11 : memref<80xi32, #tpu.memory_space<vmem>>) target_semaphore(%arg33 : memref<!tpu.dma_semaphore, #tpu.memory_space<semaphore_mem>>)
    %add3A_28 = arith.constant 1 : i32
    %add3A_29 = arith.addi %add3A_28, %mul3A_18 : i32
    %rem3A_30 = arith.constant 250 : i32
    %rem3A_31 = arith.remsi %add3A_29, %rem3A_30 : i32
    %mul3A_32 = arith.constant 80 : i32
    %mul3A_33 = arith.muli %rem3A_31, %mul3A_32 : i32
    %add3A_34 = arith.addi %mul3A_2, %mul3A_33 : i32
    %dma_start3A_35 = tpu.memref_slice %arg4[%add3A_34] : memref<320000xi32, #tpu.memory_space<hbm>> -> memref<80xi32, #tpu.memory_space<hbm>>
    %dma_start3A_36 = tpu.memref_slice %arg4[%add3A_34] : memref<320000xi32, #tpu.memory_space<hbm>> -> memref<80xi32, #tpu.memory_space<hbm>>
    tpu.enqueue_dma source(%dma_start3A_36 : memref<80xi32, #tpu.memory_space<hbm>>) target(%arg7 : memref<80xi32, #tpu.memory_space<vmem>>) target_semaphore(%arg29 : memref<!tpu.dma_semaphore, #tpu.memory_space<semaphore_mem>>)
    %dma_start3A_37 = tpu.memref_slice %arg3[%add3A_34] : memref<320000xi32, #tpu.memory_space<hbm>> -> memref<80xi32, #tpu.memory_space<hbm>>
    %dma_start3A_38 = tpu.memref_slice %arg3[%add3A_34] : memref<320000xi32, #tpu.memory_space<hbm>> -> memref<80xi32, #tpu.memory_space<hbm>>
    tpu.enqueue_dma source(%dma_start3A_38 : memref<80xi32, #tpu.memory_space<hbm>>) target(%arg12 : memref<80xi32, #tpu.memory_space<vmem>>) target_semaphore(%arg34 : memref<!tpu.dma_semaphore, #tpu.memory_space<semaphore_mem>>)
    %add3A_39 = arith.constant 2 : i32
    %add3A_40 = arith.addi %add3A_39, %mul3A_18 : i32
    %rem3A_41 = arith.constant 250 : i32
    %rem3A_42 = arith.remsi %add3A_40, %rem3A_41 : i32
    %mul3A_43 = arith.constant 80 : i32
    %mul3A_44 = arith.muli %rem3A_42, %mul3A_43 : i32
    %add3A_45 = arith.addi %mul3A_2, %mul3A_44 : i32
    %dma_start3A_46 = tpu.memref_slice %arg4[%add3A_45] : memref<320000xi32, #tpu.memory_space<hbm>> -> memref<80xi32, #tpu.memory_space<hbm>>
    %dma_start3A_47 = tpu.memref_slice %arg4[%add3A_45] : memref<320000xi32, #tpu.memory_space<hbm>> -> memref<80xi32, #tpu.memory_space<hbm>>
    tpu.enqueue_dma source(%dma_start3A_47 : memref<80xi32, #tpu.memory_space<hbm>>) target(%arg8 : memref<80xi32, #tpu.memory_space<vmem>>) target_semaphore(%arg30 : memref<!tpu.dma_semaphore, #tpu.memory_space<semaphore_mem>>)
    %dma_start3A_48 = tpu.memref_slice %arg3[%add3A_45] : memref<320000xi32, #tpu.memory_space<hbm>> -> memref<80xi32, #tpu.memory_space<hbm>>
    %dma_start3A_49 = tpu.memref_slice %arg3[%add3A_45] : memref<320000xi32, #tpu.memory_space<hbm>> -> memref<80xi32, #tpu.memory_space<hbm>>
    tpu.enqueue_dma source(%dma_start3A_49 : memref<80xi32, #tpu.memory_space<hbm>>) target(%arg13 : memref<80xi32, #tpu.memory_space<vmem>>) target_semaphore(%arg35 : memref<!tpu.dma_semaphore, #tpu.memory_space<semaphore_mem>>)
    %add3A_50 = arith.constant 3 : i32
    %add3A_51 = arith.addi %add3A_50, %mul3A_18 : i32
    %rem3A_52 = arith.constant 250 : i32
    %rem3A_53 = arith.remsi %add3A_51, %rem3A_52 : i32
    %mul3A_54 = arith.constant 80 : i32
    %mul3A_55 = arith.muli %rem3A_53, %mul3A_54 : i32
    %add3A_56 = arith.addi %mul3A_2, %mul3A_55 : i32
    %dma_start3A_57 = tpu.memref_slice %arg4[%add3A_56] : memref<320000xi32, #tpu.memory_space<hbm>> -> memref<80xi32, #tpu.memory_space<hbm>>
    %dma_start3A_58 = tpu.memref_slice %arg4[%add3A_56] : memref<320000xi32, #tpu.memory_space<hbm>> -> memref<80xi32, #tpu.memory_space<hbm>>
    tpu.enqueue_dma source(%dma_start3A_58 : memref<80xi32, #tpu.memory_space<hbm>>) target(%arg9 : memref<80xi32, #tpu.memory_space<vmem>>) target_semaphore(%arg31 : memref<!tpu.dma_semaphore, #tpu.memory_space<semaphore_mem>>)
    %dma_start3A_59 = tpu.memref_slice %arg3[%add3A_56] : memref<320000xi32, #tpu.memory_space<hbm>> -> memref<80xi32, #tpu.memory_space<hbm>>
    %dma_start3A_60 = tpu.memref_slice %arg3[%add3A_56] : memref<320000xi32, #tpu.memory_space<hbm>> -> memref<80xi32, #tpu.memory_space<hbm>>
    tpu.enqueue_dma source(%dma_start3A_60 : memref<80xi32, #tpu.memory_space<hbm>>) target(%arg14 : memref<80xi32, #tpu.memory_space<vmem>>) target_semaphore(%arg36 : memref<!tpu.dma_semaphore, #tpu.memory_space<semaphore_mem>>)
    %dma_wait3A = arith.constant 0 : i32
    %dma_wait3A_61 = tpu.memref_slice %arg4[%dma_wait3A] : memref<320000xi32, #tpu.memory_space<hbm>> -> memref<80xi32, #tpu.memory_space<hbm>>
    %dma_wait3A_62 = arith.constant 0 : i32
    %dma_wait3A_63 = tpu.memref_slice %arg4[%dma_wait3A_62] : memref<320000xi32, #tpu.memory_space<hbm>> -> memref<80xi32, #tpu.memory_space<hbm>>
    tpu.wait_dma2 semaphore(%arg28 : memref<!tpu.dma_semaphore, #tpu.memory_space<semaphore_mem>>) src(%dma_wait3A_63 : memref<80xi32, #tpu.memory_space<hbm>>) dst(%arg6 : memref<80xi32, #tpu.memory_space<vmem>>)
    %dma_start3A_64 = arith.constant 0 : i32
    %dma_start3A_65 = arith.constant 0 : i32
    %dma_start3A_66 = tpu.memref_slice %arg2[%dma_start3A_64, %dma_start3A_65] : memref<10000x128xf32, #tpu.memory_space<hbm>> -> memref<10000x128xf32, #tpu.memory_space<hbm>>
    tpu.enqueue_indirect_dma source(%dma_start3A_66 : memref<10000x128xf32, #tpu.memory_space<hbm>>) target(%arg21 : memref<80x128xf32, #tpu.memory_space<vmem>>) offsets(%arg6 : memref<80xi32, #tpu.memory_space<vmem>>) semaphore(%arg38 : memref<!tpu.dma_semaphore, #tpu.memory_space<semaphore_mem>>)
    %dma_wait3A_67 = arith.constant 0 : i32
    %dma_wait3A_68 = tpu.memref_slice %arg3[%dma_wait3A_67] : memref<320000xi32, #tpu.memory_space<hbm>> -> memref<80xi32, #tpu.memory_space<hbm>>
    %dma_wait3A_69 = arith.constant 0 : i32
    %dma_wait3A_70 = tpu.memref_slice %arg3[%dma_wait3A_69] : memref<320000xi32, #tpu.memory_space<hbm>> -> memref<80xi32, #tpu.memory_space<hbm>>
    tpu.wait_dma2 semaphore(%arg33 : memref<!tpu.dma_semaphore, #tpu.memory_space<semaphore_mem>>) src(%dma_wait3A_70 : memref<80xi32, #tpu.memory_space<hbm>>) dst(%arg11 : memref<80xi32, #tpu.memory_space<vmem>>)
    %get3A = arith.constant 0 : index
    %get3A_71 = tpu.vector_load %arg11[%get3A] {strides = array<i32>} : memref<80xi32, #tpu.memory_space<vmem>>, vector<16xi32>,
    %get3A_72 = vector.shape_cast %get3A_71 : vector<16xi32> to vector<16xi32>
    %sub3A = vector.broadcast %mul3A_0 : i32 to vector<16xi32>
    %sub3A_73 = arith.subi %get3A_72, %sub3A : vector<16xi32>
    %ge3A = arith.constant 0 : i32
    %ge3A_74 = vector.broadcast %ge3A : i32 to vector<16xi32>
    %ge3A_75 = arith.cmpi sge, %sub3A_73, %ge3A_74 : vector<16xi32>
    %lt3A = arith.constant 5000 : i32
    %lt3A_76 = vector.broadcast %lt3A : i32 to vector<16xi32>
    %lt3A_77 = arith.cmpi slt, %sub3A_73, %lt3A_76 : vector<16xi32>
    %and3A = arith.andi %ge3A_75, %lt3A_77 : vector<16xi1>
    %and3A_78 = arith.constant 63 : i32
    %and3A_79 = vector.broadcast %and3A_78 : i32 to vector<16xi32>
    %and3A_80 = arith.andi %get3A_72, %and3A_79 : vector<16xi32>
    %add3A_81 = arith.constant 5000 : i32
    %add3A_82 = vector.broadcast %add3A_81 : i32 to vector<16xi32>
    %add3A_83 = arith.addi %add3A_82, %and3A_80 : vector<16xi32>
    %select_n3A = arith.select %and3A, %sub3A_73, %add3A_83 : vector<16xi1>, vector<16xi32>
    %swap3A = arith.constant 0 : index
    %swap3A_84 = tpu.vector_load %arg16[%swap3A] {strides = array<i32>} : memref<80xi32, #tpu.memory_space<vmem>>, vector<16xi32>,
    %swap3A_85 = vector.shape_cast %swap3A_84 : vector<16xi32> to vector<16xi32>
    %swap3A_86 = vector.shape_cast %select_n3A : vector<16xi32> to vector<16xi32>
    tpu.vector_store %arg16[%swap3A], %swap3A_86 {strides = array<i32>} : memref<80xi32, #tpu.memory_space<vmem>>, vector<16xi32>,
    %get3A_87 = arith.constant 16 : index
    %get3A_88 = tpu.vector_load %arg11[%get3A_87] {strides = array<i32>} : memref<80xi32, #tpu.memory_space<vmem>>, vector<16xi32>,
    %get3A_89 = vector.shape_cast %get3A_88 : vector<16xi32> to vector<16xi32>
    %sub3A_90 = vector.broadcast %mul3A_0 : i32 to vector<16xi32>
    %sub3A_91 = arith.subi %get3A_89, %sub3A_90 : vector<16xi32>
    %ge3A_92 = arith.constant 0 : i32
    %ge3A_93 = vector.broadcast %ge3A_92 : i32 to vector<16xi32>
    %ge3A_94 = arith.cmpi sge, %sub3A_91, %ge3A_93 : vector<16xi32>
    %lt3A_95 = arith.constant 5000 : i32
    %lt3A_96 = vector.broadcast %lt3A_95 : i32 to vector<16xi32>
    %lt3A_97 = arith.cmpi slt, %sub3A_91, %lt3A_96 : vector<16xi32>
    %and3A_98 = arith.andi %ge3A_94, %lt3A_97 : vector<16xi1>
    %and3A_99 = arith.constant 63 : i32
    %and3A_100 = vector.broadcast %and3A_99 : i32 to vector<16xi32>
    %and3A_101 = arith.andi %get3A_89, %and3A_100 : vector<16xi32>
    %add3A_102 = arith.constant 5000 : i32
    %add3A_103 = vector.broadcast %add3A_102 : i32 to vector<16xi32>
    %add3A_104 = arith.addi %add3A_103, %and3A_101 : vector<16xi32>
    %select_n3A_105 = arith.select %and3A_98, %sub3A_91, %add3A_104 : vector<16xi1>, vector<16xi32>
    %swap3A_106 = arith.constant 16 : index
    %swap3A_107 = tpu.vector_load %arg16[%swap3A_106] {strides = array<i32>} : memref<80xi32, #tpu.memory_space<vmem>>, vector<16xi32>,
    %swap3A_108 = vector.shape_cast %swap3A_107 : vector<16xi32> to vector<16xi32>
    %swap3A_109 = vector.shape_cast %select_n3A_105 : vector<16xi32> to vector<16xi32>
    tpu.vector_store %arg16[%swap3A_106], %swap3A_109 {strides = array<i32>} : memref<80xi32, #tpu.memory_space<vmem>>, vector<16xi32>,
    %get3A_110 = arith.constant 32 : index
    %get3A_111 = tpu.vector_load %arg11[%get3A_110] {strides = array<i32>} : memref<80xi32, #tpu.memory_space<vmem>>, vector<16xi32>,
    %get3A_112 = vector.shape_cast %get3A_111 : vector<16xi32> to vector<16xi32>
    %sub3A_113 = vector.broadcast %mul3A_0 : i32 to vector<16xi32>
    %sub3A_114 = arith.subi %get3A_112, %sub3A_113 : vector<16xi32>
    %ge3A_115 = arith.constant 0 : i32
    %ge3A_116 = vector.broadcast %ge3A_115 : i32 to vector<16xi32>
    %ge3A_117 = arith.cmpi sge, %sub3A_114, %ge3A_116 : vector<16xi32>
    %lt3A_118 = arith.constant 5000 : i32
    %lt3A_119 = vector.broadcast %lt3A_118 : i32 to vector<16xi32>
    %lt3A_120 = arith.cmpi slt, %sub3A_114, %lt3A_119 : vector<16xi32>
    %and3A_121 = arith.andi %ge3A_117, %lt3A_120 : vector<16xi1>
    %and3A_122 = arith.constant 63 : i32
    %and3A_123 = vector.broadcast %and3A_122 : i32 to vector<16xi32>
    %and3A_124 = arith.andi %get3A_112, %and3A_123 : vector<16xi32>
    %add3A_125 = arith.constant 5000 : i32
    %add3A_126 = vector.broadcast %add3A_125 : i32 to vector<16xi32>
    %add3A_127 = arith.addi %add3A_126, %and3A_124 : vector<16xi32>
    %select_n3A_128 = arith.select %and3A_121, %sub3A_114, %add3A_127 : vector<16xi1>, vector<16xi32>
    %swap3A_129 = arith.constant 32 : index
    %swap3A_130 = tpu.vector_load %arg16[%swap3A_129] {strides = array<i32>} : memref<80xi32, #tpu.memory_space<vmem>>, vector<16xi32>,
    %swap3A_131 = vector.shape_cast %swap3A_130 : vector<16xi32> to vector<16xi32>
    %swap3A_132 = vector.shape_cast %select_n3A_128 : vector<16xi32> to vector<16xi32>
    tpu.vector_store %arg16[%swap3A_129], %swap3A_132 {strides = array<i32>} : memref<80xi32, #tpu.memory_space<vmem>>, vector<16xi32>,
    %get3A_133 = arith.constant 48 : index
    %get3A_134 = tpu.vector_load %arg11[%get3A_133] {strides = array<i32>} : memref<80xi32, #tpu.memory_space<vmem>>, vector<16xi32>,
    %get3A_135 = vector.shape_cast %get3A_134 : vector<16xi32> to vector<16xi32>
    %sub3A_136 = vector.broadcast %mul3A_0 : i32 to vector<16xi32>
    %sub3A_137 = arith.subi %get3A_135, %sub3A_136 : vector<16xi32>
    %ge3A_138 = arith.constant 0 : i32
    %ge3A_139 = vector.broadcast %ge3A_138 : i32 to vector<16xi32>
    %ge3A_140 = arith.cmpi sge, %sub3A_137, %ge3A_139 : vector<16xi32>
    %lt3A_141 = arith.constant 5000 : i32
    %lt3A_142 = vector.broadcast %lt3A_141 : i32 to vector<16xi32>
    %lt3A_143 = arith.cmpi slt, %sub3A_137, %lt3A_142 : vector<16xi32>
    %and3A_144 = arith.andi %ge3A_140, %lt3A_143 : vector<16xi1>
    %and3A_145 = arith.constant 63 : i32
    %and3A_146 = vector.broadcast %and3A_145 : i32 to vector<16xi32>
    %and3A_147 = arith.andi %get3A_135, %and3A_146 : vector<16xi32>
    %add3A_148 = arith.constant 5000 : i32
    %add3A_149 = vector.broadcast %add3A_148 : i32 to vector<16xi32>
    %add3A_150 = arith.addi %add3A_149, %and3A_147 : vector<16xi32>
    %select_n3A_151 = arith.select %and3A_144, %sub3A_137, %add3A_150 : vector<16xi1>, vector<16xi32>
    %swap3A_152 = arith.constant 48 : index
    %swap3A_153 = tpu.vector_load %arg16[%swap3A_152] {strides = array<i32>} : memref<80xi32, #tpu.memory_space<vmem>>, vector<16xi32>,
    %swap3A_154 = vector.shape_cast %swap3A_153 : vector<16xi32> to vector<16xi32>
    %swap3A_155 = vector.shape_cast %select_n3A_151 : vector<16xi32> to vector<16xi32>
    tpu.vector_store %arg16[%swap3A_152], %swap3A_155 {strides = array<i32>} : memref<80xi32, #tpu.memory_space<vmem>>, vector<16xi32>,
    %get3A_156 = arith.constant 64 : index
    %get3A_157 = tpu.vector_load %arg11[%get3A_156] {strides = array<i32>} : memref<80xi32, #tpu.memory_space<vmem>>, vector<16xi32>,
    %get3A_158 = vector.shape_cast %get3A_157 : vector<16xi32> to vector<16xi32>
    %sub3A_159 = vector.broadcast %mul3A_0 : i32 to vector<16xi32>
    %sub3A_160 = arith.subi %get3A_158, %sub3A_159 : vector<16xi32>
    %ge3A_161 = arith.constant 0 : i32
    %ge3A_162 = vector.broadcast %ge3A_161 : i32 to vector<16xi32>
    %ge3A_163 = arith.cmpi sge, %sub3A_160, %ge3A_162 : vector<16xi32>
    %lt3A_164 = arith.constant 5000 : i32
    %lt3A_165 = vector.broadcast %lt3A_164 : i32 to vector<16xi32>
    %lt3A_166 = arith.cmpi slt, %sub3A_160, %lt3A_165 : vector<16xi32>
    %and3A_167 = arith.andi %ge3A_163, %lt3A_166 : vector<16xi1>
    %and3A_168 = arith.constant 63 : i32
    %and3A_169 = vector.broadcast %and3A_168 : i32 to vector<16xi32>
    %and3A_170 = arith.andi %get3A_158, %and3A_169 : vector<16xi32>
    %add3A_171 = arith.constant 5000 : i32
    %add3A_172 = vector.broadcast %add3A_171 : i32 to vector<16xi32>
    %add3A_173 = arith.addi %add3A_172, %and3A_170 : vector<16xi32>
    %select_n3A_174 = arith.select %and3A_167, %sub3A_160, %add3A_173 : vector<16xi1>, vector<16xi32>
    %swap3A_175 = arith.constant 64 : index
    %swap3A_176 = tpu.vector_load %arg16[%swap3A_175] {strides = array<i32>} : memref<80xi32, #tpu.memory_space<vmem>>, vector<16xi32>,
    %swap3A_177 = vector.shape_cast %swap3A_176 : vector<16xi32> to vector<16xi32>
    %swap3A_178 = vector.shape_cast %select_n3A_174 : vector<16xi32> to vector<16xi32>
    tpu.vector_store %arg16[%swap3A_175], %swap3A_178 {strides = array<i32>} : memref<80xi32, #tpu.memory_space<vmem>>, vector<16xi32>,
    %dma_wait3A_179 = arith.constant 0 : i32
    %dma_wait3A_180 = tpu.memref_slice %arg4[%dma_wait3A_179] : memref<320000xi32, #tpu.memory_space<hbm>> -> memref<80xi32, #tpu.memory_space<hbm>>
    %dma_wait3A_181 = arith.constant 0 : i32
    %dma_wait3A_182 = tpu.memref_slice %arg4[%dma_wait3A_181] : memref<320000xi32, #tpu.memory_space<hbm>> -> memref<80xi32, #tpu.memory_space<hbm>>
    tpu.wait_dma2 semaphore(%arg29 : memref<!tpu.dma_semaphore, #tpu.memory_space<semaphore_mem>>) src(%dma_wait3A_182 : memref<80xi32, #tpu.memory_space<hbm>>) dst(%arg7 : memref<80xi32, #tpu.memory_space<vmem>>)
    %dma_start3A_183 = arith.constant 0 : i32
    %dma_start3A_184 = arith.constant 0 : i32
    %dma_start3A_185 = tpu.memref_slice %arg2[%dma_start3A_183, %dma_start3A_184] : memref<10000x128xf32, #tpu.memory_space<hbm>> -> memref<10000x128xf32, #tpu.memory_space<hbm>>
    tpu.enqueue_indirect_dma source(%dma_start3A_185 : memref<10000x128xf32, #tpu.memory_space<hbm>>) target(%arg22 : memref<80x128xf32, #tpu.memory_space<vmem>>) offsets(%arg7 : memref<80xi32, #tpu.memory_space<vmem>>) semaphore(%arg39 : memref<!tpu.dma_semaphore, #tpu.memory_space<semaphore_mem>>)
    %dma_wait3A_186 = arith.constant 0 : i32
    %dma_wait3A_187 = tpu.memref_slice %arg3[%dma_wait3A_186] : memref<320000xi32, #tpu.memory_space<hbm>> -> memref<80xi32, #tpu.memory_space<hbm>>
    %dma_wait3A_188 = arith.constant 0 : i32
    %dma_wait3A_189 = tpu.memref_slice %arg3[%dma_wait3A_188] : memref<320000xi32, #tpu.memory_space<hbm>> -> memref<80xi32, #tpu.memory_space<hbm>>
    tpu.wait_dma2 semaphore(%arg34 : memref<!tpu.dma_semaphore, #tpu.memory_space<semaphore_mem>>) src(%dma_wait3A_189 : memref<80xi32, #tpu.memory_space<hbm>>) dst(%arg12 : memref<80xi32, #tpu.memory_space<vmem>>)
    %get3A_190 = arith.constant 0 : index
    %get3A_191 = tpu.vector_load %arg12[%get3A_190] {strides = array<i32>} : memref<80xi32, #tpu.memory_space<vmem>>, vector<16xi32>,
    %get3A_192 = vector.shape_cast %get3A_191 : vector<16xi32> to vector<16xi32>
    %sub3A_193 = vector.broadcast %mul3A_0 : i32 to vector<16xi32>
    %sub3A_194 = arith.subi %get3A_192, %sub3A_193 : vector<16xi32>
    %ge3A_195 = arith.constant 0 : i32
    %ge3A_196 = vector.broadcast %ge3A_195 : i32 to vector<16xi32>
    %ge3A_197 = arith.cmpi sge, %sub3A_194, %ge3A_196 : vector<16xi32>
    %lt3A_198 = arith.constant 5000 : i32
    %lt3A_199 = vector.broadcast %lt3A_198 : i32 to vector<16xi32>
    %lt3A_200 = arith.cmpi slt, %sub3A_194, %lt3A_199 : vector<16xi32>
    %and3A_201 = arith.andi %ge3A_197, %lt3A_200 : vector<16xi1>
    %and3A_202 = arith.constant 63 : i32
    %and3A_203 = vector.broadcast %and3A_202 : i32 to vector<16xi32>
    %and3A_204 = arith.andi %get3A_192, %and3A_203 : vector<16xi32>
    %add3A_205 = arith.constant 5000 : i32
    %add3A_206 = vector.broadcast %add3A_205 : i32 to vector<16xi32>
    %add3A_207 = arith.addi %add3A_206, %and3A_204 : vector<16xi32>
    %select_n3A_208 = arith.select %and3A_201, %sub3A_194, %add3A_207 : vector<16xi1>, vector<16xi32>
    %swap3A_209 = arith.constant 0 : index
    %swap3A_210 = tpu.vector_load %arg17[%swap3A_209] {strides = array<i32>} : memref<80xi32, #tpu.memory_space<vmem>>, vector<16xi32>,
    %swap3A_211 = vector.shape_cast %swap3A_210 : vector<16xi32> to vector<16xi32>
    %swap3A_212 = vector.shape_cast %select_n3A_208 : vector<16xi32> to vector<16xi32>
    tpu.vector_store %arg17[%swap3A_209], %swap3A_212 {strides = array<i32>} : memref<80xi32, #tpu.memory_space<vmem>>, vector<16xi32>,
    %get3A_213 = arith.constant 16 : index
    %get3A_214 = tpu.vector_load %arg12[%get3A_213] {strides = array<i32>} : memref<80xi32, #tpu.memory_space<vmem>>, vector<16xi32>,
    %get3A_215 = vector.shape_cast %get3A_214 : vector<16xi32> to vector<16xi32>
    %sub3A_216 = vector.broadcast %mul3A_0 : i32 to vector<16xi32>
    %sub3A_217 = arith.subi %get3A_215, %sub3A_216 : vector<16xi32>
    %ge3A_218 = arith.constant 0 : i32
    %ge3A_219 = vector.broadcast %ge3A_218 : i32 to vector<16xi32>
    %ge3A_220 = arith.cmpi sge, %sub3A_217, %ge3A_219 : vector<16xi32>
    %lt3A_221 = arith.constant 5000 : i32
    %lt3A_222 = vector.broadcast %lt3A_221 : i32 to vector<16xi32>
    %lt3A_223 = arith.cmpi slt, %sub3A_217, %lt3A_222 : vector<16xi32>
    %and3A_224 = arith.andi %ge3A_220, %lt3A_223 : vector<16xi1>
    %and3A_225 = arith.constant 63 : i32
    %and3A_226 = vector.broadcast %and3A_225 : i32 to vector<16xi32>
    %and3A_227 = arith.andi %get3A_215, %and3A_226 : vector<16xi32>
    %add3A_228 = arith.constant 5000 : i32
    %add3A_229 = vector.broadcast %add3A_228 : i32 to vector<16xi32>
    %add3A_230 = arith.addi %add3A_229, %and3A_227 : vector<16xi32>
    %select_n3A_231 = arith.select %and3A_224, %sub3A_217, %add3A_230 : vector<16xi1>, vector<16xi32>
    %swap3A_232 = arith.constant 16 : index
    %swap3A_233 = tpu.vector_load %arg17[%swap3A_232] {strides = array<i32>} : memref<80xi32, #tpu.memory_space<vmem>>, vector<16xi32>,
    %swap3A_234 = vector.shape_cast %swap3A_233 : vector<16xi32> to vector<16xi32>
    %swap3A_235 = vector.shape_cast %select_n3A_231 : vector<16xi32> to vector<16xi32>
    tpu.vector_store %arg17[%swap3A_232], %swap3A_235 {strides = array<i32>} : memref<80xi32, #tpu.memory_space<vmem>>, vector<16xi32>,
    %get3A_236 = arith.constant 32 : index
    %get3A_237 = tpu.vector_load %arg12[%get3A_236] {strides = array<i32>} : memref<80xi32, #tpu.memory_space<vmem>>, vector<16xi32>,
    %get3A_238 = vector.shape_cast %get3A_237 : vector<16xi32> to vector<16xi32>
    %sub3A_239 = vector.broadcast %mul3A_0 : i32 to vector<16xi32>
    %sub3A_240 = arith.subi %get3A_238, %sub3A_239 : vector<16xi32>
    %ge3A_241 = arith.constant 0 : i32
    %ge3A_242 = vector.broadcast %ge3A_241 : i32 to vector<16xi32>
    %ge3A_243 = arith.cmpi sge, %sub3A_240, %ge3A_242 : vector<16xi32>
    %lt3A_244 = arith.constant 5000 : i32
    %lt3A_245 = vector.broadcast %lt3A_244 : i32 to vector<16xi32>
    %lt3A_246 = arith.cmpi slt, %sub3A_240, %lt3A_245 : vector<16xi32>
    %and3A_247 = arith.andi %ge3A_243, %lt3A_246 : vector<16xi1>
    %and3A_248 = arith.constant 63 : i32
    %and3A_249 = vector.broadcast %and3A_248 : i32 to vector<16xi32>
    %and3A_250 = arith.andi %get3A_238, %and3A_249 : vector<16xi32>
    %add3A_251 = arith.constant 5000 : i32
    %add3A_252 = vector.broadcast %add3A_251 : i32 to vector<16xi32>
    %add3A_253 = arith.addi %add3A_252, %and3A_250 : vector<16xi32>
    %select_n3A_254 = arith.select %and3A_247, %sub3A_240, %add3A_253 : vector<16xi1>, vector<16xi32>
    %swap3A_255 = arith.constant 32 : index
    %swap3A_256 = tpu.vector_load %arg17[%swap3A_255] {strides = array<i32>} : memref<80xi32, #tpu.memory_space<vmem>>, vector<16xi32>,
    %swap3A_257 = vector.shape_cast %swap3A_256 : vector<16xi32> to vector<16xi32>
    %swap3A_258 = vector.shape_cast %select_n3A_254 : vector<16xi32> to vector<16xi32>
    tpu.vector_store %arg17[%swap3A_255], %swap3A_258 {strides = array<i32>} : memref<80xi32, #tpu.memory_space<vmem>>, vector<16xi32>,
    %get3A_259 = arith.constant 48 : index
    %get3A_260 = tpu.vector_load %arg12[%get3A_259] {strides = array<i32>} : memref<80xi32, #tpu.memory_space<vmem>>, vector<16xi32>,
    %get3A_261 = vector.shape_cast %get3A_260 : vector<16xi32> to vector<16xi32>
    %sub3A_262 = vector.broadcast %mul3A_0 : i32 to vector<16xi32>
    %sub3A_263 = arith.subi %get3A_261, %sub3A_262 : vector<16xi32>
    %ge3A_264 = arith.constant 0 : i32
    %ge3A_265 = vector.broadcast %ge3A_264 : i32 to vector<16xi32>
    %ge3A_266 = arith.cmpi sge, %sub3A_263, %ge3A_265 : vector<16xi32>
    %lt3A_267 = arith.constant 5000 : i32
    %lt3A_268 = vector.broadcast %lt3A_267 : i32 to vector<16xi32>
    %lt3A_269 = arith.cmpi slt, %sub3A_263, %lt3A_268 : vector<16xi32>
    %and3A_270 = arith.andi %ge3A_266, %lt3A_269 : vector<16xi1>
    %and3A_271 = arith.constant 63 : i32
    %and3A_272 = vector.broadcast %and3A_271 : i32 to vector<16xi32>
    %and3A_273 = arith.andi %get3A_261, %and3A_272 : vector<16xi32>
    %add3A_274 = arith.constant 5000 : i32
    %add3A_275 = vector.broadcast %add3A_274 : i32 to vector<16xi32>
    %add3A_276 = arith.addi %add3A_275, %and3A_273 : vector<16xi32>
    %select_n3A_277 = arith.select %and3A_270, %sub3A_263, %add3A_276 : vector<16xi1>, vector<16xi32>
    %swap3A_278 = arith.constant 48 : index
    %swap3A_279 = tpu.vector_load %arg17[%swap3A_278] {strides = array<i32>} : memref<80xi32, #tpu.memory_space<vmem>>, vector<16xi32>,
    %swap3A_280 = vector.shape_cast %swap3A_279 : vector<16xi32> to vector<16xi32>
    %swap3A_281 = vector.shape_cast %select_n3A_277 : vector<16xi32> to vector<16xi32>
    tpu.vector_store %arg17[%swap3A_278], %swap3A_281 {strides = array<i32>} : memref<80xi32, #tpu.memory_space<vmem>>, vector<16xi32>,
    %get3A_282 = arith.constant 64 : index
    %get3A_283 = tpu.vector_load %arg12[%get3A_282] {strides = array<i32>} : memref<80xi32, #tpu.memory_space<vmem>>, vector<16xi32>,
    %get3A_284 = vector.shape_cast %get3A_283 : vector<16xi32> to vector<16xi32>
    %sub3A_285 = vector.broadcast %mul3A_0 : i32 to vector<16xi32>
    %sub3A_286 = arith.subi %get3A_284, %sub3A_285 : vector<16xi32>
    %ge3A_287 = arith.constant 0 : i32
    %ge3A_288 = vector.broadcast %ge3A_287 : i32 to vector<16xi32>
    %ge3A_289 = arith.cmpi sge, %sub3A_286, %ge3A_288 : vector<16xi32>
    %lt3A_290 = arith.constant 5000 : i32
    %lt3A_291 = vector.broadcast %lt3A_290 : i32 to vector<16xi32>
    %lt3A_292 = arith.cmpi slt, %sub3A_286, %lt3A_291 : vector<16xi32>
    %and3A_293 = arith.andi %ge3A_289, %lt3A_292 : vector<16xi1>
    %and3A_294 = arith.constant 63 : i32
    %and3A_295 = vector.broadcast %and3A_294 : i32 to vector<16xi32>
    %and3A_296 = arith.andi %get3A_284, %and3A_295 : vector<16xi32>
    %add3A_297 = arith.constant 5000 : i32
    %add3A_298 = vector.broadcast %add3A_297 : i32 to vector<16xi32>
    %add3A_299 = arith.addi %add3A_298, %and3A_296 : vector<16xi32>
    %select_n3A_300 = arith.select %and3A_293, %sub3A_286, %add3A_299 : vector<16xi1>, vector<16xi32>
    %swap3A_301 = arith.constant 64 : index
    %swap3A_302 = tpu.vector_load %arg17[%swap3A_301] {strides = array<i32>} : memref<80xi32, #tpu.memory_space<vmem>>, vector<16xi32>,
    %swap3A_303 = vector.shape_cast %swap3A_302 : vector<16xi32> to vector<16xi32>
    %swap3A_304 = vector.shape_cast %select_n3A_300 : vector<16xi32> to vector<16xi32>
    tpu.vector_store %arg17[%swap3A_301], %swap3A_304 {strides = array<i32>} : memref<80xi32, #tpu.memory_space<vmem>>, vector<16xi32>,
    %dma_wait3A_305 = arith.constant 0 : i32
    %dma_wait3A_306 = tpu.memref_slice %arg4[%dma_wait3A_305] : memref<320000xi32, #tpu.memory_space<hbm>> -> memref<80xi32, #tpu.memory_space<hbm>>
    %dma_wait3A_307 = arith.constant 0 : i32
    %dma_wait3A_308 = tpu.memref_slice %arg4[%dma_wait3A_307] : memref<320000xi32, #tpu.memory_space<hbm>> -> memref<80xi32, #tpu.memory_space<hbm>>
    tpu.wait_dma2 semaphore(%arg30 : memref<!tpu.dma_semaphore, #tpu.memory_space<semaphore_mem>>) src(%dma_wait3A_308 : memref<80xi32, #tpu.memory_space<hbm>>) dst(%arg8 : memref<80xi32, #tpu.memory_space<vmem>>)
    %dma_start3A_309 = arith.constant 0 : i32
    %dma_start3A_310 = arith.constant 0 : i32
    %dma_start3A_311 = tpu.memref_slice %arg2[%dma_start3A_309, %dma_start3A_310] : memref<10000x128xf32, #tpu.memory_space<hbm>> -> memref<10000x128xf32, #tpu.memory_space<hbm>>
    tpu.enqueue_indirect_dma source(%dma_start3A_311 : memref<10000x128xf32, #tpu.memory_space<hbm>>) target(%arg23 : memref<80x128xf32, #tpu.memory_space<vmem>>) offsets(%arg8 : memref<80xi32, #tpu.memory_space<vmem>>) semaphore(%arg40 : memref<!tpu.dma_semaphore, #tpu.memory_space<semaphore_mem>>)
    %dma_wait3A_312 = arith.constant 0 : i32
    %dma_wait3A_313 = tpu.memref_slice %arg3[%dma_wait3A_312] : memref<320000xi32, #tpu.memory_space<hbm>> -> memref<80xi32, #tpu.memory_space<hbm>>
    %dma_wait3A_314 = arith.constant 0 : i32
    %dma_wait3A_315 = tpu.memref_slice %arg3[%dma_wait3A_314] : memref<320000xi32, #tpu.memory_space<hbm>> -> memref<80xi32, #tpu.memory_space<hbm>>
    tpu.wait_dma2 semaphore(%arg35 : memref<!tpu.dma_semaphore, #tpu.memory_space<semaphore_mem>>) src(%dma_wait3A_315 : memref<80xi32, #tpu.memory_space<hbm>>) dst(%arg13 : memref<80xi32, #tpu.memory_space<vmem>>)
    %get3A_316 = arith.constant 0 : index
    %get3A_317 = tpu.vector_load %arg13[%get3A_316] {strides = array<i32>} : memref<80xi32, #tpu.memory_space<vmem>>, vector<16xi32>,
    %get3A_318 = vector.shape_cast %get3A_317 : vector<16xi32> to vector<16xi32>
    %sub3A_319 = vector.broadcast %mul3A_0 : i32 to vector<16xi32>
    %sub3A_320 = arith.subi %get3A_318, %sub3A_319 : vector<16xi32>
    %ge3A_321 = arith.constant 0 : i32
    %ge3A_322 = vector.broadcast %ge3A_321 : i32 to vector<16xi32>
    %ge3A_323 = arith.cmpi sge, %sub3A_320, %ge3A_322 : vector<16xi32>
    %lt3A_324 = arith.constant 5000 : i32
    %lt3A_325 = vector.broadcast %lt3A_324 : i32 to vector<16xi32>
    %lt3A_326 = arith.cmpi slt, %sub3A_320, %lt3A_325 : vector<16xi32>
    %and3A_327 = arith.andi %ge3A_323, %lt3A_326 : vector<16xi1>
    %and3A_328 = arith.constant 63 : i32
    %and3A_329 = vector.broadcast %and3A_328 : i32 to vector<16xi32>
    %and3A_330 = arith.andi %get3A_318, %and3A_329 : vector<16xi32>
    %add3A_331 = arith.constant 5000 : i32
    %add3A_332 = vector.broadcast %add3A_331 : i32 to vector<16xi32>
    %add3A_333 = arith.addi %add3A_332, %and3A_330 : vector<16xi32>
    %select_n3A_334 = arith.select %and3A_327, %sub3A_320, %add3A_333 : vector<16xi1>, vector<16xi32>
    %swap3A_335 = arith.constant 0 : index
    %swap3A_336 = tpu.vector_load %arg18[%swap3A_335] {strides = array<i32>} : memref<80xi32, #tpu.memory_space<vmem>>, vector<16xi32>,
    %swap3A_337 = vector.shape_cast %swap3A_336 : vector<16xi32> to vector<16xi32>
    %swap3A_338 = vector.shape_cast %select_n3A_334 : vector<16xi32> to vector<16xi32>
    tpu.vector_store %arg18[%swap3A_335], %swap3A_338 {strides = array<i32>} : memref<80xi32, #tpu.memory_space<vmem>>, vector<16xi32>,
    %get3A_339 = arith.constant 16 : index
    %get3A_340 = tpu.vector_load %arg13[%get3A_339] {strides = array<i32>} : memref<80xi32, #tpu.memory_space<vmem>>, vector<16xi32>,
    %get3A_341 = vector.shape_cast %get3A_340 : vector<16xi32> to vector<16xi32>
    %sub3A_342 = vector.broadcast %mul3A_0 : i32 to vector<16xi32>
    %sub3A_343 = arith.subi %get3A_341, %sub3A_342 : vector<16xi32>
    %ge3A_344 = arith.constant 0 : i32
    %ge3A_345 = vector.broadcast %ge3A_344 : i32 to vector<16xi32>
    %ge3A_346 = arith.cmpi sge, %sub3A_343, %ge3A_345 : vector<16xi32>
    %lt3A_347 = arith.constant 5000 : i32
    %lt3A_348 = vector.broadcast %lt3A_347 : i32 to vector<16xi32>
    %lt3A_349 = arith.cmpi slt, %sub3A_343, %lt3A_348 : vector<16xi32>
    %and3A_350 = arith.andi %ge3A_346, %lt3A_349 : vector<16xi1>
    %and3A_351 = arith.constant 63 : i32
    %and3A_352 = vector.broadcast %and3A_351 : i32 to vector<16xi32>
    %and3A_353 = arith.andi %get3A_341, %and3A_352 : vector<16xi32>
    %add3A_354 = arith.constant 5000 : i32
    %add3A_355 = vector.broadcast %add3A_354 : i32 to vector<16xi32>
    %add3A_356 = arith.addi %add3A_355, %and3A_353 : vector<16xi32>
    %select_n3A_357 = arith.select %and3A_350, %sub3A_343, %add3A_356 : vector<16xi1>, vector<16xi32>
    %swap3A_358 = arith.constant 16 : index
    %swap3A_359 = tpu.vector_load %arg18[%swap3A_358] {strides = array<i32>} : memref<80xi32, #tpu.memory_space<vmem>>, vector<16xi32>,
    %swap3A_360 = vector.shape_cast %swap3A_359 : vector<16xi32> to vector<16xi32>
    %swap3A_361 = vector.shape_cast %select_n3A_357 : vector<16xi32> to vector<16xi32>
    tpu.vector_store %arg18[%swap3A_358], %swap3A_361 {strides = array<i32>} : memref<80xi32, #tpu.memory_space<vmem>>, vector<16xi32>,
    %get3A_362 = arith.constant 32 : index
    %get3A_363 = tpu.vector_load %arg13[%get3A_362] {strides = array<i32>} : memref<80xi32, #tpu.memory_space<vmem>>, vector<16xi32>,
    %get3A_364 = vector.shape_cast %get3A_363 : vector<16xi32> to vector<16xi32>
    %sub3A_365 = vector.broadcast %mul3A_0 : i32 to vector<16xi32>
    %sub3A_366 = arith.subi %get3A_364, %sub3A_365 : vector<16xi32>
    %ge3A_367 = arith.constant 0 : i32
    %ge3A_368 = vector.broadcast %ge3A_367 : i32 to vector<16xi32>
    %ge3A_369 = arith.cmpi sge, %sub3A_366, %ge3A_368 : vector<16xi32>
    %lt3A_370 = arith.constant 5000 : i32
    %lt3A_371 = vector.broadcast %lt3A_370 : i32 to vector<16xi32>
    %lt3A_372 = arith.cmpi slt, %sub3A_366, %lt3A_371 : vector<16xi32>
    %and3A_373 = arith.andi %ge3A_369, %lt3A_372 : vector<16xi1>
    %and3A_374 = arith.constant 63 : i32
    %and3A_375 = vector.broadcast %and3A_374 : i32 to vector<16xi32>
    %and3A_376 = arith.andi %get3A_364, %and3A_375 : vector<16xi32>
    %add3A_377 = arith.constant 5000 : i32
    %add3A_378 = vector.broadcast %add3A_377 : i32 to vector<16xi32>
    %add3A_379 = arith.addi %add3A_378, %and3A_376 : vector<16xi32>
    %select_n3A_380 = arith.select %and3A_373, %sub3A_366, %add3A_379 : vector<16xi1>, vector<16xi32>
    %swap3A_381 = arith.constant 32 : index
    %swap3A_382 = tpu.vector_load %arg18[%swap3A_381] {strides = array<i32>} : memref<80xi32, #tpu.memory_space<vmem>>, vector<16xi32>,
    %swap3A_383 = vector.shape_cast %swap3A_382 : vector<16xi32> to vector<16xi32>
    %swap3A_384 = vector.shape_cast %select_n3A_380 : vector<16xi32> to vector<16xi32>
    tpu.vector_store %arg18[%swap3A_381], %swap3A_384 {strides = array<i32>} : memref<80xi32, #tpu.memory_space<vmem>>, vector<16xi32>,
    %get3A_385 = arith.constant 48 : index
    %get3A_386 = tpu.vector_load %arg13[%get3A_385] {strides = array<i32>} : memref<80xi32, #tpu.memory_space<vmem>>, vector<16xi32>,
    %get3A_387 = vector.shape_cast %get3A_386 : vector<16xi32> to vector<16xi32>
    %sub3A_388 = vector.broadcast %mul3A_0 : i32 to vector<16xi32>
    %sub3A_389 = arith.subi %get3A_387, %sub3A_388 : vector<16xi32>
    %ge3A_390 = arith.constant 0 : i32
    %ge3A_391 = vector.broadcast %ge3A_390 : i32 to vector<16xi32>
    %ge3A_392 = arith.cmpi sge, %sub3A_389, %ge3A_391 : vector<16xi32>
    %lt3A_393 = arith.constant 5000 : i32
    %lt3A_394 = vector.broadcast %lt3A_393 : i32 to vector<16xi32>
    %lt3A_395 = arith.cmpi slt, %sub3A_389, %lt3A_394 : vector<16xi32>
    %and3A_396 = arith.andi %ge3A_392, %lt3A_395 : vector<16xi1>
    %and3A_397 = arith.constant 63 : i32
    %and3A_398 = vector.broadcast %and3A_397 : i32 to vector<16xi32>
    %and3A_399 = arith.andi %get3A_387, %and3A_398 : vector<16xi32>
    %add3A_400 = arith.constant 5000 : i32
    %add3A_401 = vector.broadcast %add3A_400 : i32 to vector<16xi32>
    %add3A_402 = arith.addi %add3A_401, %and3A_399 : vector<16xi32>
    %select_n3A_403 = arith.select %and3A_396, %sub3A_389, %add3A_402 : vector<16xi1>, vector<16xi32>
    %swap3A_404 = arith.constant 48 : index
    %swap3A_405 = tpu.vector_load %arg18[%swap3A_404] {strides = array<i32>} : memref<80xi32, #tpu.memory_space<vmem>>, vector<16xi32>,
    %swap3A_406 = vector.shape_cast %swap3A_405 : vector<16xi32> to vector<16xi32>
    %swap3A_407 = vector.shape_cast %select_n3A_403 : vector<16xi32> to vector<16xi32>
    tpu.vector_store %arg18[%swap3A_404], %swap3A_407 {strides = array<i32>} : memref<80xi32, #tpu.memory_space<vmem>>, vector<16xi32>,
    %get3A_408 = arith.constant 64 : index
    %get3A_409 = tpu.vector_load %arg13[%get3A_408] {strides = array<i32>} : memref<80xi32, #tpu.memory_space<vmem>>, vector<16xi32>,
    %get3A_410 = vector.shape_cast %get3A_409 : vector<16xi32> to vector<16xi32>
    %sub3A_411 = vector.broadcast %mul3A_0 : i32 to vector<16xi32>
    %sub3A_412 = arith.subi %get3A_410, %sub3A_411 : vector<16xi32>
    %ge3A_413 = arith.constant 0 : i32
    %ge3A_414 = vector.broadcast %ge3A_413 : i32 to vector<16xi32>
    %ge3A_415 = arith.cmpi sge, %sub3A_412, %ge3A_414 : vector<16xi32>
    %lt3A_416 = arith.constant 5000 : i32
    %lt3A_417 = vector.broadcast %lt3A_416 : i32 to vector<16xi32>
    %lt3A_418 = arith.cmpi slt, %sub3A_412, %lt3A_417 : vector<16xi32>
    %and3A_419 = arith.andi %ge3A_415, %lt3A_418 : vector<16xi1>
    %and3A_420 = arith.constant 63 : i32
    %and3A_421 = vector.broadcast %and3A_420 : i32 to vector<16xi32>
    %and3A_422 = arith.andi %get3A_410, %and3A_421 : vector<16xi32>
    %add3A_423 = arith.constant 5000 : i32
    %add3A_424 = vector.broadcast %add3A_423 : i32 to vector<16xi32>
    %add3A_425 = arith.addi %add3A_424, %and3A_422 : vector<16xi32>
    %select_n3A_426 = arith.select %and3A_419, %sub3A_412, %add3A_425 : vector<16xi1>, vector<16xi32>
    %swap3A_427 = arith.constant 64 : index
    %swap3A_428 = tpu.vector_load %arg18[%swap3A_427] {strides = array<i32>} : memref<80xi32, #tpu.memory_space<vmem>>, vector<16xi32>,
    %swap3A_429 = vector.shape_cast %swap3A_428 : vector<16xi32> to vector<16xi32>
    %swap3A_430 = vector.shape_cast %select_n3A_426 : vector<16xi32> to vector<16xi32>
    tpu.vector_store %arg18[%swap3A_427], %swap3A_430 {strides = array<i32>} : memref<80xi32, #tpu.memory_space<vmem>>, vector<16xi32>,
    %scan3A_431 = arith.constant 0 : i32
    %scan3A_432 = arith.constant 0 : i32
    %scan3A_433 = arith.constant 50 : i32
    %scan3A_434 = arith.addi %scan3A_432, %scan3A_433 : i32
    %scan3A_435 = arith.constant 1 : i32
    scf.for %scan3A_473 = %scan3A_432 to %scan3A_434 step %scan3A_435  : i32 {
      %mul3A_474 = arith.constant 5 : i32
      %mul3A_475 = arith.muli %scan3A_473, %mul3A_474 : i32
      %add3A_476 = arith.constant 0 : i32
      %add3A_477 = arith.addi %mul3A_475, %add3A_476 : i32
      %add3A_478 = arith.constant 4 : i32
      %add3A_479 = arith.addi %add3A_477, %add3A_478 : i32
      %add3A_480 = arith.constant 3 : i32
      %add3A_481 = arith.addi %add3A_477, %add3A_480 : i32
      %lt3A_482 = arith.constant 250 : i32
      %lt3A_483 = arith.cmpi slt, %add3A_479, %lt3A_482 : i32
      %convert_element_type3A_484 = arith.extui %lt3A_483 : i1 to i32
      %cond3A_485 = arith.constant 0 : i32
      %cond3A_486 = arith.cmpi ne, %convert_element_type3A_484, %cond3A_485 : i32
      scf.if %cond3A_486 {
        %add3A_594 = arith.addi %add3A_479, %mul3A_18 : i32
        %rem3A_595 = arith.constant 250 : i32
        %rem3A_596 = arith.remsi %add3A_594, %rem3A_595 : i32
        %mul3A_597 = arith.constant 80 : i32
        %mul3A_598 = arith.muli %rem3A_596, %mul3A_597 : i32
        %add3A_599 = arith.addi %mul3A_2, %mul3A_598 : i32
        %dma_start3A_600 = tpu.memref_slice %arg4[%add3A_599] : memref<320000xi32, #tpu.memory_space<hbm>> -> memref<80xi32, #tpu.memory_space<hbm>>
        %dma_start3A_601 = tpu.memref_slice %arg4[%add3A_599] : memref<320000xi32, #tpu.memory_space<hbm>> -> memref<80xi32, #tpu.memory_space<hbm>>
        tpu.enqueue_dma source(%dma_start3A_601 : memref<80xi32, #tpu.memory_space<hbm>>) target(%arg10 : memref<80xi32, #tpu.memory_space<vmem>>) target_semaphore(%arg32 : memref<!tpu.dma_semaphore, #tpu.memory_space<semaphore_mem>>)
        %dma_start3A_602 = tpu.memref_slice %arg3[%add3A_599] : memref<320000xi32, #tpu.memory_space<hbm>> -> memref<80xi32, #tpu.memory_space<hbm>>
        %dma_start3A_603 = tpu.memref_slice %arg3[%add3A_599] : memref<320000xi32, #tpu.memory_space<hbm>> -> memref<80xi32, #tpu.memory_space<hbm>>
        tpu.enqueue_dma source(%dma_start3A_603 : memref<80xi32, #tpu.memory_space<hbm>>) target(%arg15 : memref<80xi32, #tpu.memory_space<vmem>>) target_semaphore(%arg37 : memref<!tpu.dma_semaphore, #tpu.memory_space<semaphore_mem>>)
      } else {
      }
      %lt3A_487 = arith.constant 250 : i32
      %lt3A_488 = arith.cmpi slt, %add3A_481, %lt3A_487 : i32
      %convert_element_type3A_489 = arith.extui %lt3A_488 : i1 to i32
      %cond3A_490 = arith.constant 0 : i32
      %cond3A_491 = arith.cmpi ne, %convert_element_type3A_489, %cond3A_490 : i32
      scf.if %cond3A_491 {
        %ge3A_594 = arith.constant 5 : i32
        %ge3A_595 = arith.cmpi sge, %add3A_481, %ge3A_594 : i32
        %convert_element_type3A_596 = arith.extui %ge3A_595 : i1 to i32
        %cond3A_597 = arith.constant 0 : i32
        %cond3A_598 = arith.cmpi ne, %convert_element_type3A_596, %cond3A_597 : i32
        scf.if %cond3A_598 {
          %dma_wait3A_725 = arith.constant 0 : i32
          %dma_wait3A_726 = arith.constant 0 : i32
          %dma_wait3A_727 = tpu.memref_slice %arg27[%dma_wait3A_725, %dma_wait3A_726] : memref<5064x128xf32, #tpu.memory_space<vmem_shared>> -> memref<5064x128xf32, #tpu.memory_space<vmem_shared>>
          tpu.wait_indirect_dma semaphore(%arg46 : memref<!tpu.dma_semaphore, #tpu.memory_space<semaphore_mem>>) src(%arg24 : memref<80x128xf32, #tpu.memory_space<vmem>>) dst(%dma_wait3A_727 : memref<5064x128xf32, #tpu.memory_space<vmem_shared>>)
        } else {
        }
        %dma_wait3A_599 = arith.constant 0 : i32
        %dma_wait3A_600 = tpu.memref_slice %arg4[%dma_wait3A_599] : memref<320000xi32, #tpu.memory_space<hbm>> -> memref<80xi32, #tpu.memory_space<hbm>>
        %dma_wait3A_601 = arith.constant 0 : i32
        %dma_wait3A_602 = tpu.memref_slice %arg4[%dma_wait3A_601] : memref<320000xi32, #tpu.memory_space<hbm>> -> memref<80xi32, #tpu.memory_space<hbm>>
        tpu.wait_dma2 semaphore(%arg31 : memref<!tpu.dma_semaphore, #tpu.memory_space<semaphore_mem>>) src(%dma_wait3A_602 : memref<80xi32, #tpu.memory_space<hbm>>) dst(%arg9 : memref<80xi32, #tpu.memory_space<vmem>>)
        %dma_start3A_603 = arith.constant 0 : i32
        %dma_start3A_604 = arith.constant 0 : i32
        %dma_start3A_605 = tpu.memref_slice %arg2[%dma_start3A_603, %dma_start3A_604] : memref<10000x128xf32, #tpu.memory_space<hbm>> -> memref<10000x128xf32, #tpu.memory_space<hbm>>
        tpu.enqueue_indirect_dma source(%dma_start3A_605 : memref<10000x128xf32, #tpu.memory_space<hbm>>) target(%arg24 : memref<80x128xf32, #tpu.memory_space<vmem>>) offsets(%arg9 : memref<80xi32, #tpu.memory_space<vmem>>) semaphore(%arg41 : memref<!tpu.dma_semaphore, #tpu.memory_space<semaphore_mem>>)
        %dma_wait3A_606 = arith.constant 0 : i32
        %dma_wait3A_607 = tpu.memref_slice %arg3[%dma_wait3A_606] : memref<320000xi32, #tpu.memory_space<hbm>> -> memref<80xi32, #tpu.memory_space<hbm>>
        %dma_wait3A_608 = arith.constant 0 : i32
        %dma_wait3A_609 = tpu.memref_slice %arg3[%dma_wait3A_608] : memref<320000xi32, #tpu.memory_space<hbm>> -> memref<80xi32, #tpu.memory_space<hbm>>
        tpu.wait_dma2 semaphore(%arg36 : memref<!tpu.dma_semaphore, #tpu.memory_space<semaphore_mem>>) src(%dma_wait3A_609 : memref<80xi32, #tpu.memory_space<hbm>>) dst(%arg14 : memref<80xi32, #tpu.memory_space<vmem>>)
        %get3A_610 = arith.constant 0 : index
        %get3A_611 = tpu.vector_load %arg14[%get3A_610] {strides = array<i32>} : memref<80xi32, #tpu.memory_space<vmem>>, vector<16xi32>,
        %get3A_612 = vector.shape_cast %get3A_611 : vector<16xi32> to vector<16xi32>
        %sub3A_613 = vector.broadcast %mul3A_0 : i32 to vector<16xi32>
        %sub3A_614 = arith.subi %get3A_612, %sub3A_613 : vector<16xi32>
        %ge3A_615 = arith.constant 0 : i32
        %ge3A_616 = vector.broadcast %ge3A_615 : i32 to vector<16xi32>
        %ge3A_617 = arith.cmpi sge, %sub3A_614, %ge3A_616 : vector<16xi32>
        %lt3A_618 = arith.constant 5000 : i32
        %lt3A_619 = vector.broadcast %lt3A_618 : i32 to vector<16xi32>
        %lt3A_620 = arith.cmpi slt, %sub3A_614, %lt3A_619 : vector<16xi32>
        %and3A_621 = arith.andi %ge3A_617, %lt3A_620 : vector<16xi1>
        %and3A_622 = arith.constant 63 : i32
        %and3A_623 = vector.broadcast %and3A_622 : i32 to vector<16xi32>
        %and3A_624 = arith.andi %get3A_612, %and3A_623 : vector<16xi32>
        %add3A_625 = arith.constant 5000 : i32
        %add3A_626 = vector.broadcast %add3A_625 : i32 to vector<16xi32>
        %add3A_627 = arith.addi %add3A_626, %and3A_624 : vector<16xi32>
        %select_n3A_628 = arith.select %and3A_621, %sub3A_614, %add3A_627 : vector<16xi1>, vector<16xi32>
        %swap3A_629 = arith.constant 0 : index
        %swap3A_630 = tpu.vector_load %arg19[%swap3A_629] {strides = array<i32>} : memref<80xi32, #tpu.memory_space<vmem>>, vector<16xi32>,
        %swap3A_631 = vector.shape_cast %swap3A_630 : vector<16xi32> to vector<16xi32>
        %swap3A_632 = vector.shape_cast %select_n3A_628 : vector<16xi32> to vector<16xi32>
        tpu.vector_store %arg19[%swap3A_629], %swap3A_632 {strides = array<i32>} : memref<80xi32, #tpu.memory_space<vmem>>, vector<16xi32>,
        %get3A_633 = arith.constant 16 : index
        %get3A_634 = tpu.vector_load %arg14[%get3A_633] {strides = array<i32>} : memref<80xi32, #tpu.memory_space<vmem>>, vector<16xi32>,
        %get3A_635 = vector.shape_cast %get3A_634 : vector<16xi32> to vector<16xi32>
        %sub3A_636 = vector.broadcast %mul3A_0 : i32 to vector<16xi32>
        %sub3A_637 = arith.subi %get3A_635, %sub3A_636 : vector<16xi32>
        %ge3A_638 = arith.constant 0 : i32
        %ge3A_639 = vector.broadcast %ge3A_638 : i32 to vector<16xi32>
        %ge3A_640 = arith.cmpi sge, %sub3A_637, %ge3A_639 : vector<16xi32>
        %lt3A_641 = arith.constant 5000 : i32
        %lt3A_642 = vector.broadcast %lt3A_641 : i32 to vector<16xi32>
        %lt3A_643 = arith.cmpi slt, %sub3A_637, %lt3A_642 : vector<16xi32>
        %and3A_644 = arith.andi %ge3A_640, %lt3A_643 : vector<16xi1>
        %and3A_645 = arith.constant 63 : i32
        %and3A_646 = vector.broadcast %and3A_645 : i32 to vector<16xi32>
        %and3A_647 = arith.andi %get3A_635, %and3A_646 : vector<16xi32>
        %add3A_648 = arith.constant 5000 : i32
        %add3A_649 = vector.broadcast %add3A_648 : i32 to vector<16xi32>
        %add3A_650 = arith.addi %add3A_649, %and3A_647 : vector<16xi32>
        %select_n3A_651 = arith.select %and3A_644, %sub3A_637, %add3A_650 : vector<16xi1>, vector<16xi32>
        %swap3A_652 = arith.constant 16 : index
        %swap3A_653 = tpu.vector_load %arg19[%swap3A_652] {strides = array<i32>} : memref<80xi32, #tpu.memory_space<vmem>>, vector<16xi32>,
        %swap3A_654 = vector.shape_cast %swap3A_653 : vector<16xi32> to vector<16xi32>
        %swap3A_655 = vector.shape_cast %select_n3A_651 : vector<16xi32> to vector<16xi32>
        tpu.vector_store %arg19[%swap3A_652], %swap3A_655 {strides = array<i32>} : memref<80xi32, #tpu.memory_space<vmem>>, vector<16xi32>,
        %get3A_656 = arith.constant 32 : index
        %get3A_657 = tpu.vector_load %arg14[%get3A_656] {strides = array<i32>} : memref<80xi32, #tpu.memory_space<vmem>>, vector<16xi32>,
        %get3A_658 = vector.shape_cast %get3A_657 : vector<16xi32> to vector<16xi32>
        %sub3A_659 = vector.broadcast %mul3A_0 : i32 to vector<16xi32>
        %sub3A_660 = arith.subi %get3A_658, %sub3A_659 : vector<16xi32>
        %ge3A_661 = arith.constant 0 : i32
        %ge3A_662 = vector.broadcast %ge3A_661 : i32 to vector<16xi32>
        %ge3A_663 = arith.cmpi sge, %sub3A_660, %ge3A_662 : vector<16xi32>
        %lt3A_664 = arith.constant 5000 : i32
        %lt3A_665 = vector.broadcast %lt3A_664 : i32 to vector<16xi32>
        %lt3A_666 = arith.cmpi slt, %sub3A_660, %lt3A_665 : vector<16xi32>
        %and3A_667 = arith.andi %ge3A_663, %lt3A_666 : vector<16xi1>
        %and3A_668 = arith.constant 63 : i32
        %and3A_669 = vector.broadcast %and3A_668 : i32 to vector<16xi32>
        %and3A_670 = arith.andi %get3A_658, %and3A_669 : vector<16xi32>
        %add3A_671 = arith.constant 5000 : i32
        %add3A_672 = vector.broadcast %add3A_671 : i32 to vector<16xi32>
        %add3A_673 = arith.addi %add3A_672, %and3A_670 : vector<16xi32>
        %select_n3A_674 = arith.select %and3A_667, %sub3A_660, %add3A_673 : vector<16xi1>, vector<16xi32>
        %swap3A_675 = arith.constant 32 : index
        %swap3A_676 = tpu.vector_load %arg19[%swap3A_675] {strides = array<i32>} : memref<80xi32, #tpu.memory_space<vmem>>, vector<16xi32>,
        %swap3A_677 = vector.shape_cast %swap3A_676 : vector<16xi32> to vector<16xi32>
        %swap3A_678 = vector.shape_cast %select_n3A_674 : vector<16xi32> to vector<16xi32>
        tpu.vector_store %arg19[%swap3A_675], %swap3A_678 {strides = array<i32>} : memref<80xi32, #tpu.memory_space<vmem>>, vector<16xi32>,
        %get3A_679 = arith.constant 48 : index
        %get3A_680 = tpu.vector_load %arg14[%get3A_679] {strides = array<i32>} : memref<80xi32, #tpu.memory_space<vmem>>, vector<16xi32>,
        %get3A_681 = vector.shape_cast %get3A_680 : vector<16xi32> to vector<16xi32>
        %sub3A_682 = vector.broadcast %mul3A_0 : i32 to vector<16xi32>
        %sub3A_683 = arith.subi %get3A_681, %sub3A_682 : vector<16xi32>
        %ge3A_684 = arith.constant 0 : i32
        %ge3A_685 = vector.broadcast %ge3A_684 : i32 to vector<16xi32>
        %ge3A_686 = arith.cmpi sge, %sub3A_683, %ge3A_685 : vector<16xi32>
        %lt3A_687 = arith.constant 5000 : i32
        %lt3A_688 = vector.broadcast %lt3A_687 : i32 to vector<16xi32>
        %lt3A_689 = arith.cmpi slt, %sub3A_683, %lt3A_688 : vector<16xi32>
        %and3A_690 = arith.andi %ge3A_686, %lt3A_689 : vector<16xi1>
        %and3A_691 = arith.constant 63 : i32
        %and3A_692 = vector.broadcast %and3A_691 : i32 to vector<16xi32>
        %and3A_693 = arith.andi %get3A_681, %and3A_692 : vector<16xi32>
        %add3A_694 = arith.constant 5000 : i32
        %add3A_695 = vector.broadcast %add3A_694 : i32 to vector<16xi32>
        %add3A_696 = arith.addi %add3A_695, %and3A_693 : vector<16xi32>
        %select_n3A_697 = arith.select %and3A_690, %sub3A_683, %add3A_696 : vector<16xi1>, vector<16xi32>
        %swap3A_698 = arith.constant 48 : index
        %swap3A_699 = tpu.vector_load %arg19[%swap3A_698] {strides = array<i32>} : memref<80xi32, #tpu.memory_space<vmem>>, vector<16xi32>,
        %swap3A_700 = vector.shape_cast %swap3A_699 : vector<16xi32> to vector<16xi32>
        %swap3A_701 = vector.shape_cast %select_n3A_697 : vector<16xi32> to vector<16xi32>
        tpu.vector_store %arg19[%swap3A_698], %swap3A_701 {strides = array<i32>} : memref<80xi32, #tpu.memory_space<vmem>>, vector<16xi32>,
        %get3A_702 = arith.constant 64 : index
        %get3A_703 = tpu.vector_load %arg14[%get3A_702] {strides = array<i32>} : memref<80xi32, #tpu.memory_space<vmem>>, vector<16xi32>,
        %get3A_704 = vector.shape_cast %get3A_703 : vector<16xi32> to vector<16xi32>
        %sub3A_705 = vector.broadcast %mul3A_0 : i32 to vector<16xi32>
        %sub3A_706 = arith.subi %get3A_704, %sub3A_705 : vector<16xi32>
        %ge3A_707 = arith.constant 0 : i32
        %ge3A_708 = vector.broadcast %ge3A_707 : i32 to vector<16xi32>
        %ge3A_709 = arith.cmpi sge, %sub3A_706, %ge3A_708 : vector<16xi32>
        %lt3A_710 = arith.constant 5000 : i32
        %lt3A_711 = vector.broadcast %lt3A_710 : i32 to vector<16xi32>
        %lt3A_712 = arith.cmpi slt, %sub3A_706, %lt3A_711 : vector<16xi32>
        %and3A_713 = arith.andi %ge3A_709, %lt3A_712 : vector<16xi1>
        %and3A_714 = arith.constant 63 : i32
        %and3A_715 = vector.broadcast %and3A_714 : i32 to vector<16xi32>
        %and3A_716 = arith.andi %get3A_704, %and3A_715 : vector<16xi32>
        %add3A_717 = arith.constant 5000 : i32
        %add3A_718 = vector.broadcast %add3A_717 : i32 to vector<16xi32>
        %add3A_719 = arith.addi %add3A_718, %and3A_716 : vector<16xi32>
        %select_n3A_720 = arith.select %and3A_713, %sub3A_706, %add3A_719 : vector<16xi1>, vector<16xi32>
        %swap3A_721 = arith.constant 64 : index
        %swap3A_722 = tpu.vector_load %arg19[%swap3A_721] {strides = array<i32>} : memref<80xi32, #tpu.memory_space<vmem>>, vector<16xi32>,
        %swap3A_723 = vector.shape_cast %swap3A_722 : vector<16xi32> to vector<16xi32>
        %swap3A_724 = vector.shape_cast %select_n3A_720 : vector<16xi32> to vector<16xi32>
        tpu.vector_store %arg19[%swap3A_721], %swap3A_724 {strides = array<i32>} : memref<80xi32, #tpu.memory_space<vmem>>, vector<16xi32>,
      } else {
      }
      %dma_wait3A_492 = arith.constant 0 : i32
      %dma_wait3A_493 = arith.constant 0 : i32
      %dma_wait3A_494 = tpu.memref_slice %arg2[%dma_wait3A_492, %dma_wait3A_493] : memref<10000x128xf32, #tpu.memory_space<hbm>> -> memref<10000x128xf32, #tpu.memory_space<hbm>>
      tpu.wait_indirect_dma semaphore(%arg38 : memref<!tpu.dma_semaphore, #tpu.memory_space<semaphore_mem>>) src(%dma_wait3A_494 : memref<10000x128xf32, #tpu.memory_space<hbm>>) dst(%arg21 : memref<80x128xf32, #tpu.memory_space<vmem>>)
      %dma_start3A_495 = arith.constant 0 : i32
      %dma_start3A_496 = arith.constant 0 : i32
      %dma_start3A_497 = tpu.memref_slice %arg27[%dma_start3A_495, %dma_start3A_496] : memref<5064x128xf32, #tpu.memory_space<vmem_shared>> -> memref<5064x128xf32, #tpu.memory_space<vmem_shared>>
      tpu.enqueue_indirect_dma source(%arg21 : memref<80x128xf32, #tpu.memory_space<vmem>>) target(%dma_start3A_497 : memref<5064x128xf32, #tpu.memory_space<vmem_shared>>) offsets(%arg16 : memref<80xi32, #tpu.memory_space<vmem>>) semaphore(%arg43 : memref<!tpu.dma_semaphore, #tpu.memory_space<semaphore_mem>>) {add = true}
      %mul3A_498 = arith.constant 5 : i32
      %mul3A_499 = arith.muli %scan3A_473, %mul3A_498 : i32
      %add3A_500 = arith.constant 1 : i32
      %add3A_501 = arith.addi %mul3A_499, %add3A_500 : i32
      %add3A_502 = arith.constant 4 : i32
      %add3A_503 = arith.addi %add3A_501, %add3A_502 : i32
      %add3A_504 = arith.constant 3 : i32
      %add3A_505 = arith.addi %add3A_501, %add3A_504 : i32
      %lt3A_506 = arith.constant 250 : i32
      %lt3A_507 = arith.cmpi slt, %add3A_503, %lt3A_506 : i32
      %convert_element_type3A_508 = arith.extui %lt3A_507 : i1 to i32
      %cond3A_509 = arith.constant 0 : i32
      %cond3A_510 = arith.cmpi ne, %convert_element_type3A_508, %cond3A_509 : i32
      scf.if %cond3A_510 {
        %add3A_594 = arith.addi %add3A_503, %mul3A_18 : i32
        %rem3A_595 = arith.constant 250 : i32
        %rem3A_596 = arith.remsi %add3A_594, %rem3A_595 : i32
        %mul3A_597 = arith.constant 80 : i32
        %mul3A_598 = arith.muli %rem3A_596, %mul3A_597 : i32
        %add3A_599 = arith.addi %mul3A_2, %mul3A_598 : i32
        %dma_start3A_600 = tpu.memref_slice %arg4[%add3A_599] : memref<320000xi32, #tpu.memory_space<hbm>> -> memref<80xi32, #tpu.memory_space<hbm>>
        %dma_start3A_601 = tpu.memref_slice %arg4[%add3A_599] : memref<320000xi32, #tpu.memory_space<hbm>> -> memref<80xi32, #tpu.memory_space<hbm>>
        tpu.enqueue_dma source(%dma_start3A_601 : memref<80xi32, #tpu.memory_space<hbm>>) target(%arg6 : memref<80xi32, #tpu.memory_space<vmem>>) target_semaphore(%arg28 : memref<!tpu.dma_semaphore, #tpu.memory_space<semaphore_mem>>)
        %dma_start3A_602 = tpu.memref_slice %arg3[%add3A_599] : memref<320000xi32, #tpu.memory_space<hbm>> -> memref<80xi32, #tpu.memory_space<hbm>>
        %dma_start3A_603 = tpu.memref_slice %arg3[%add3A_599] : memref<320000xi32, #tpu.memory_space<hbm>> -> memref<80xi32, #tpu.memory_space<hbm>>
        tpu.enqueue_dma source(%dma_start3A_603 : memref<80xi32, #tpu.memory_space<hbm>>) target(%arg11 : memref<80xi32, #tpu.memory_space<vmem>>) target_semaphore(%arg33 : memref<!tpu.dma_semaphore, #tpu.memory_space<semaphore_mem>>)
      } else {
      }
      %lt3A_511 = arith.constant 250 : i32
      %lt3A_512 = arith.cmpi slt, %add3A_505, %lt3A_511 : i32
      %convert_element_type3A_513 = arith.extui %lt3A_512 : i1 to i32
      %cond3A_514 = arith.constant 0 : i32
      %cond3A_515 = arith.cmpi ne, %convert_element_type3A_513, %cond3A_514 : i32
      scf.if %cond3A_515 {
        %ge3A_594 = arith.constant 5 : i32
        %ge3A_595 = arith.cmpi sge, %add3A_505, %ge3A_594 : i32
        %convert_element_type3A_596 = arith.extui %ge3A_595 : i1 to i32
        %cond3A_597 = arith.constant 0 : i32
        %cond3A_598 = arith.cmpi ne, %convert_element_type3A_596, %cond3A_597 : i32
        scf.if %cond3A_598 {
          %dma_wait3A_725 = arith.constant 0 : i32
          %dma_wait3A_726 = arith.constant 0 : i32
          %dma_wait3A_727 = tpu.memref_slice %arg27[%dma_wait3A_725, %dma_wait3A_726] : memref<5064x128xf32, #tpu.memory_space<vmem_shared>> -> memref<5064x128xf32, #tpu.memory_space<vmem_shared>>
          tpu.wait_indirect_dma semaphore(%arg47 : memref<!tpu.dma_semaphore, #tpu.memory_space<semaphore_mem>>) src(%arg25 : memref<80x128xf32, #tpu.memory_space<vmem>>) dst(%dma_wait3A_727 : memref<5064x128xf32, #tpu.memory_space<vmem_shared>>)
        } else {
        }
        %dma_wait3A_599 = arith.constant 0 : i32
        %dma_wait3A_600 = tpu.memref_slice %arg4[%dma_wait3A_599] : memref<320000xi32, #tpu.memory_space<hbm>> -> memref<80xi32, #tpu.memory_space<hbm>>
        %dma_wait3A_601 = arith.constant 0 : i32
        %dma_wait3A_602 = tpu.memref_slice %arg4[%dma_wait3A_601] : memref<320000xi32, #tpu.memory_space<hbm>> -> memref<80xi32, #tpu.memory_space<hbm>>
        tpu.wait_dma2 semaphore(%arg32 : memref<!tpu.dma_semaphore, #tpu.memory_space<semaphore_mem>>) src(%dma_wait3A_602 : memref<80xi32, #tpu.memory_space<hbm>>) dst(%arg10 : memref<80xi32, #tpu.memory_space<vmem>>)
        %dma_start3A_603 = arith.constant 0 : i32
        %dma_start3A_604 = arith.constant 0 : i32
        %dma_start3A_605 = tpu.memref_slice %arg2[%dma_start3A_603, %dma_start3A_604] : memref<10000x128xf32, #tpu.memory_space<hbm>> -> memref<10000x128xf32, #tpu.memory_space<hbm>>
        tpu.enqueue_indirect_dma source(%dma_start3A_605 : memref<10000x128xf32, #tpu.memory_space<hbm>>) target(%arg25 : memref<80x128xf32, #tpu.memory_space<vmem>>) offsets(%arg10 : memref<80xi32, #tpu.memory_space<vmem>>) semaphore(%arg42 : memref<!tpu.dma_semaphore, #tpu.memory_space<semaphore_mem>>)
        %dma_wait3A_606 = arith.constant 0 : i32
        %dma_wait3A_607 = tpu.memref_slice %arg3[%dma_wait3A_606] : memref<320000xi32, #tpu.memory_space<hbm>> -> memref<80xi32, #tpu.memory_space<hbm>>
        %dma_wait3A_608 = arith.constant 0 : i32
        %dma_wait3A_609 = tpu.memref_slice %arg3[%dma_wait3A_608] : memref<320000xi32, #tpu.memory_space<hbm>> -> memref<80xi32, #tpu.memory_space<hbm>>
        tpu.wait_dma2 semaphore(%arg37 : memref<!tpu.dma_semaphore, #tpu.memory_space<semaphore_mem>>) src(%dma_wait3A_609 : memref<80xi32, #tpu.memory_space<hbm>>) dst(%arg15 : memref<80xi32, #tpu.memory_space<vmem>>)
        %get3A_610 = arith.constant 0 : index
        %get3A_611 = tpu.vector_load %arg15[%get3A_610] {strides = array<i32>} : memref<80xi32, #tpu.memory_space<vmem>>, vector<16xi32>,
        %get3A_612 = vector.shape_cast %get3A_611 : vector<16xi32> to vector<16xi32>
        %sub3A_613 = vector.broadcast %mul3A_0 : i32 to vector<16xi32>
        %sub3A_614 = arith.subi %get3A_612, %sub3A_613 : vector<16xi32>
        %ge3A_615 = arith.constant 0 : i32
        %ge3A_616 = vector.broadcast %ge3A_615 : i32 to vector<16xi32>
        %ge3A_617 = arith.cmpi sge, %sub3A_614, %ge3A_616 : vector<16xi32>
        %lt3A_618 = arith.constant 5000 : i32
        %lt3A_619 = vector.broadcast %lt3A_618 : i32 to vector<16xi32>
        %lt3A_620 = arith.cmpi slt, %sub3A_614, %lt3A_619 : vector<16xi32>
        %and3A_621 = arith.andi %ge3A_617, %lt3A_620 : vector<16xi1>
        %and3A_622 = arith.constant 63 : i32
        %and3A_623 = vector.broadcast %and3A_622 : i32 to vector<16xi32>
        %and3A_624 = arith.andi %get3A_612, %and3A_623 : vector<16xi32>
        %add3A_625 = arith.constant 5000 : i32
        %add3A_626 = vector.broadcast %add3A_625 : i32 to vector<16xi32>
        %add3A_627 = arith.addi %add3A_626, %and3A_624 : vector<16xi32>
        %select_n3A_628 = arith.select %and3A_621, %sub3A_614, %add3A_627 : vector<16xi1>, vector<16xi32>
        %swap3A_629 = arith.constant 0 : index
        %swap3A_630 = tpu.vector_load %arg20[%swap3A_629] {strides = array<i32>} : memref<80xi32, #tpu.memory_space<vmem>>, vector<16xi32>,
        %swap3A_631 = vector.shape_cast %swap3A_630 : vector<16xi32> to vector<16xi32>
        %swap3A_632 = vector.shape_cast %select_n3A_628 : vector<16xi32> to vector<16xi32>
        tpu.vector_store %arg20[%swap3A_629], %swap3A_632 {strides = array<i32>} : memref<80xi32, #tpu.memory_space<vmem>>, vector<16xi32>,
        %get3A_633 = arith.constant 16 : index
        %get3A_634 = tpu.vector_load %arg15[%get3A_633] {strides = array<i32>} : memref<80xi32, #tpu.memory_space<vmem>>, vector<16xi32>,
        %get3A_635 = vector.shape_cast %get3A_634 : vector<16xi32> to vector<16xi32>
        %sub3A_636 = vector.broadcast %mul3A_0 : i32 to vector<16xi32>
        %sub3A_637 = arith.subi %get3A_635, %sub3A_636 : vector<16xi32>
        %ge3A_638 = arith.constant 0 : i32
        %ge3A_639 = vector.broadcast %ge3A_638 : i32 to vector<16xi32>
        %ge3A_640 = arith.cmpi sge, %sub3A_637, %ge3A_639 : vector<16xi32>
        %lt3A_641 = arith.constant 5000 : i32
        %lt3A_642 = vector.broadcast %lt3A_641 : i32 to vector<16xi32>
        %lt3A_643 = arith.cmpi slt, %sub3A_637, %lt3A_642 : vector<16xi32>
        %and3A_644 = arith.andi %ge3A_640, %lt3A_643 : vector<16xi1>
        %and3A_645 = arith.constant 63 : i32
        %and3A_646 = vector.broadcast %and3A_645 : i32 to vector<16xi32>
        %and3A_647 = arith.andi %get3A_635, %and3A_646 : vector<16xi32>
        %add3A_648 = arith.constant 5000 : i32
        %add3A_649 = vector.broadcast %add3A_648 : i32 to vector<16xi32>
        %add3A_650 = arith.addi %add3A_649, %and3A_647 : vector<16xi32>
        %select_n3A_651 = arith.select %and3A_644, %sub3A_637, %add3A_650 : vector<16xi1>, vector<16xi32>
        %swap3A_652 = arith.constant 16 : index
        %swap3A_653 = tpu.vector_load %arg20[%swap3A_652] {strides = array<i32>} : memref<80xi32, #tpu.memory_space<vmem>>, vector<16xi32>,
        %swap3A_654 = vector.shape_cast %swap3A_653 : vector<16xi32> to vector<16xi32>
        %swap3A_655 = vector.shape_cast %select_n3A_651 : vector<16xi32> to vector<16xi32>
        tpu.vector_store %arg20[%swap3A_652], %swap3A_655 {strides = array<i32>} : memref<80xi32, #tpu.memory_space<vmem>>, vector<16xi32>,
        %get3A_656 = arith.constant 32 : index
        %get3A_657 = tpu.vector_load %arg15[%get3A_656] {strides = array<i32>} : memref<80xi32, #tpu.memory_space<vmem>>, vector<16xi32>,
        %get3A_658 = vector.shape_cast %get3A_657 : vector<16xi32> to vector<16xi32>
        %sub3A_659 = vector.broadcast %mul3A_0 : i32 to vector<16xi32>
        %sub3A_660 = arith.subi %get3A_658, %sub3A_659 : vector<16xi32>
        %ge3A_661 = arith.constant 0 : i32
        %ge3A_662 = vector.broadcast %ge3A_661 : i32 to vector<16xi32>
        %ge3A_663 = arith.cmpi sge, %sub3A_660, %ge3A_662 : vector<16xi32>
        %lt3A_664 = arith.constant 5000 : i32
        %lt3A_665 = vector.broadcast %lt3A_664 : i32 to vector<16xi32>
        %lt3A_666 = arith.cmpi slt, %sub3A_660, %lt3A_665 : vector<16xi32>
        %and3A_667 = arith.andi %ge3A_663, %lt3A_666 : vector<16xi1>
        %and3A_668 = arith.constant 63 : i32
        %and3A_669 = vector.broadcast %and3A_668 : i32 to vector<16xi32>
        %and3A_670 = arith.andi %get3A_658, %and3A_669 : vector<16xi32>
        %add3A_671 = arith.constant 5000 : i32
        %add3A_672 = vector.broadcast %add3A_671 : i32 to vector<16xi32>
        %add3A_673 = arith.addi %add3A_672, %and3A_670 : vector<16xi32>
        %select_n3A_674 = arith.select %and3A_667, %sub3A_660, %add3A_673 : vector<16xi1>, vector<16xi32>
        %swap3A_675 = arith.constant 32 : index
        %swap3A_676 = tpu.vector_load %arg20[%swap3A_675] {strides = array<i32>} : memref<80xi32, #tpu.memory_space<vmem>>, vector<16xi32>,
        %swap3A_677 = vector.shape_cast %swap3A_676 : vector<16xi32> to vector<16xi32>
        %swap3A_678 = vector.shape_cast %select_n3A_674 : vector<16xi32> to vector<16xi32>
        tpu.vector_store %arg20[%swap3A_675], %swap3A_678 {strides = array<i32>} : memref<80xi32, #tpu.memory_space<vmem>>, vector<16xi32>,
        %get3A_679 = arith.constant 48 : index
        %get3A_680 = tpu.vector_load %arg15[%get3A_679] {strides = array<i32>} : memref<80xi32, #tpu.memory_space<vmem>>, vector<16xi32>,
        %get3A_681 = vector.shape_cast %get3A_680 : vector<16xi32> to vector<16xi32>
        %sub3A_682 = vector.broadcast %mul3A_0 : i32 to vector<16xi32>
        %sub3A_683 = arith.subi %get3A_681, %sub3A_682 : vector<16xi32>
        %ge3A_684 = arith.constant 0 : i32
        %ge3A_685 = vector.broadcast %ge3A_684 : i32 to vector<16xi32>
        %ge3A_686 = arith.cmpi sge, %sub3A_683, %ge3A_685 : vector<16xi32>
        %lt3A_687 = arith.constant 5000 : i32
        %lt3A_688 = vector.broadcast %lt3A_687 : i32 to vector<16xi32>
        %lt3A_689 = arith.cmpi slt, %sub3A_683, %lt3A_688 : vector<16xi32>
        %and3A_690 = arith.andi %ge3A_686, %lt3A_689 : vector<16xi1>
        %and3A_691 = arith.constant 63 : i32
        %and3A_692 = vector.broadcast %and3A_691 : i32 to vector<16xi32>
        %and3A_693 = arith.andi %get3A_681, %and3A_692 : vector<16xi32>
        %add3A_694 = arith.constant 5000 : i32
        %add3A_695 = vector.broadcast %add3A_694 : i32 to vector<16xi32>
        %add3A_696 = arith.addi %add3A_695, %and3A_693 : vector<16xi32>
        %select_n3A_697 = arith.select %and3A_690, %sub3A_683, %add3A_696 : vector<16xi1>, vector<16xi32>
        %swap3A_698 = arith.constant 48 : index
        %swap3A_699 = tpu.vector_load %arg20[%swap3A_698] {strides = array<i32>} : memref<80xi32, #tpu.memory_space<vmem>>, vector<16xi32>,
        %swap3A_700 = vector.shape_cast %swap3A_699 : vector<16xi32> to vector<16xi32>
        %swap3A_701 = vector.shape_cast %select_n3A_697 : vector<16xi32> to vector<16xi32>
        tpu.vector_store %arg20[%swap3A_698], %swap3A_701 {strides = array<i32>} : memref<80xi32, #tpu.memory_space<vmem>>, vector<16xi32>,
        %get3A_702 = arith.constant 64 : index
        %get3A_703 = tpu.vector_load %arg15[%get3A_702] {strides = array<i32>} : memref<80xi32, #tpu.memory_space<vmem>>, vector<16xi32>,
        %get3A_704 = vector.shape_cast %get3A_703 : vector<16xi32> to vector<16xi32>
        %sub3A_705 = vector.broadcast %mul3A_0 : i32 to vector<16xi32>
        %sub3A_706 = arith.subi %get3A_704, %sub3A_705 : vector<16xi32>
        %ge3A_707 = arith.constant 0 : i32
        %ge3A_708 = vector.broadcast %ge3A_707 : i32 to vector<16xi32>
        %ge3A_709 = arith.cmpi sge, %sub3A_706, %ge3A_708 : vector<16xi32>
        %lt3A_710 = arith.constant 5000 : i32
        %lt3A_711 = vector.broadcast %lt3A_710 : i32 to vector<16xi32>
        %lt3A_712 = arith.cmpi slt, %sub3A_706, %lt3A_711 : vector<16xi32>
        %and3A_713 = arith.andi %ge3A_709, %lt3A_712 : vector<16xi1>
        %and3A_714 = arith.constant 63 : i32
        %and3A_715 = vector.broadcast %and3A_714 : i32 to vector<16xi32>
        %and3A_716 = arith.andi %get3A_704, %and3A_715 : vector<16xi32>
        %add3A_717 = arith.constant 5000 : i32
        %add3A_718 = vector.broadcast %add3A_717 : i32 to vector<16xi32>
        %add3A_719 = arith.addi %add3A_718, %and3A_716 : vector<16xi32>
        %select_n3A_720 = arith.select %and3A_713, %sub3A_706, %add3A_719 : vector<16xi1>, vector<16xi32>
        %swap3A_721 = arith.constant 64 : index
        %swap3A_722 = tpu.vector_load %arg20[%swap3A_721] {strides = array<i32>} : memref<80xi32, #tpu.memory_space<vmem>>, vector<16xi32>,
        %swap3A_723 = vector.shape_cast %swap3A_722 : vector<16xi32> to vector<16xi32>
        %swap3A_724 = vector.shape_cast %select_n3A_720 : vector<16xi32> to vector<16xi32>
        tpu.vector_store %arg20[%swap3A_721], %swap3A_724 {strides = array<i32>} : memref<80xi32, #tpu.memory_space<vmem>>, vector<16xi32>,
      } else {
      }
      %dma_wait3A_516 = arith.constant 0 : i32
      %dma_wait3A_517 = arith.constant 0 : i32
      %dma_wait3A_518 = tpu.memref_slice %arg2[%dma_wait3A_516, %dma_wait3A_517] : memref<10000x128xf32, #tpu.memory_space<hbm>> -> memref<10000x128xf32, #tpu.memory_space<hbm>>
      tpu.wait_indirect_dma semaphore(%arg39 : memref<!tpu.dma_semaphore, #tpu.memory_space<semaphore_mem>>) src(%dma_wait3A_518 : memref<10000x128xf32, #tpu.memory_space<hbm>>) dst(%arg22 : memref<80x128xf32, #tpu.memory_space<vmem>>)
      %dma_start3A_519 = arith.constant 0 : i32
      %dma_start3A_520 = arith.constant 0 : i32
      %dma_start3A_521 = tpu.memref_slice %arg27[%dma_start3A_519, %dma_start3A_520] : memref<5064x128xf32, #tpu.memory_space<vmem_shared>> -> memref<5064x128xf32, #tpu.memory_space<vmem_shared>>
      tpu.enqueue_indirect_dma source(%arg22 : memref<80x128xf32, #tpu.memory_space<vmem>>) target(%dma_start3A_521 : memref<5064x128xf32, #tpu.memory_space<vmem_shared>>) offsets(%arg17 : memref<80xi32, #tpu.memory_space<vmem>>) semaphore(%arg44 : memref<!tpu.dma_semaphore, #tpu.memory_space<semaphore_mem>>) {add = true}
      %mul3A_522 = arith.constant 5 : i32
      %mul3A_523 = arith.muli %scan3A_473, %mul3A_522 : i32
      %add3A_524 = arith.constant 2 : i32
      %add3A_525 = arith.addi %mul3A_523, %add3A_524 : i32
      %add3A_526 = arith.constant 4 : i32
      %add3A_527 = arith.addi %add3A_525, %add3A_526 : i32
      %add3A_528 = arith.constant 3 : i32
      %add3A_529 = arith.addi %add3A_525, %add3A_528 : i32
      %lt3A_530 = arith.constant 250 : i32
      %lt3A_531 = arith.cmpi slt, %add3A_527, %lt3A_530 : i32
      %convert_element_type3A_532 = arith.extui %lt3A_531 : i1 to i32
      %cond3A_533 = arith.constant 0 : i32
      %cond3A_534 = arith.cmpi ne, %convert_element_type3A_532, %cond3A_533 : i32
      scf.if %cond3A_534 {
        %add3A_594 = arith.addi %add3A_527, %mul3A_18 : i32
        %rem3A_595 = arith.constant 250 : i32
        %rem3A_596 = arith.remsi %add3A_594, %rem3A_595 : i32
        %mul3A_597 = arith.constant 80 : i32
        %mul3A_598 = arith.muli %rem3A_596, %mul3A_597 : i32
        %add3A_599 = arith.addi %mul3A_2, %mul3A_598 : i32
        %dma_start3A_600 = tpu.memref_slice %arg4[%add3A_599] : memref<320000xi32, #tpu.memory_space<hbm>> -> memref<80xi32, #tpu.memory_space<hbm>>
        %dma_start3A_601 = tpu.memref_slice %arg4[%add3A_599] : memref<320000xi32, #tpu.memory_space<hbm>> -> memref<80xi32, #tpu.memory_space<hbm>>
        tpu.enqueue_dma source(%dma_start3A_601 : memref<80xi32, #tpu.memory_space<hbm>>) target(%arg7 : memref<80xi32, #tpu.memory_space<vmem>>) target_semaphore(%arg29 : memref<!tpu.dma_semaphore, #tpu.memory_space<semaphore_mem>>)
        %dma_start3A_602 = tpu.memref_slice %arg3[%add3A_599] : memref<320000xi32, #tpu.memory_space<hbm>> -> memref<80xi32, #tpu.memory_space<hbm>>
        %dma_start3A_603 = tpu.memref_slice %arg3[%add3A_599] : memref<320000xi32, #tpu.memory_space<hbm>> -> memref<80xi32, #tpu.memory_space<hbm>>
        tpu.enqueue_dma source(%dma_start3A_603 : memref<80xi32, #tpu.memory_space<hbm>>) target(%arg12 : memref<80xi32, #tpu.memory_space<vmem>>) target_semaphore(%arg34 : memref<!tpu.dma_semaphore, #tpu.memory_space<semaphore_mem>>)
      } else {
      }
      %lt3A_535 = arith.constant 250 : i32
      %lt3A_536 = arith.cmpi slt, %add3A_529, %lt3A_535 : i32
      %convert_element_type3A_537 = arith.extui %lt3A_536 : i1 to i32
      %cond3A_538 = arith.constant 0 : i32
      %cond3A_539 = arith.cmpi ne, %convert_element_type3A_537, %cond3A_538 : i32
      scf.if %cond3A_539 {
        %ge3A_594 = arith.constant 5 : i32
        %ge3A_595 = arith.cmpi sge, %add3A_529, %ge3A_594 : i32
        %convert_element_type3A_596 = arith.extui %ge3A_595 : i1 to i32
        %cond3A_597 = arith.constant 0 : i32
        %cond3A_598 = arith.cmpi ne, %convert_element_type3A_596, %cond3A_597 : i32
        scf.if %cond3A_598 {
          %dma_wait3A_725 = arith.constant 0 : i32
          %dma_wait3A_726 = arith.constant 0 : i32
          %dma_wait3A_727 = tpu.memref_slice %arg27[%dma_wait3A_725, %dma_wait3A_726] : memref<5064x128xf32, #tpu.memory_space<vmem_shared>> -> memref<5064x128xf32, #tpu.memory_space<vmem_shared>>
          tpu.wait_indirect_dma semaphore(%arg43 : memref<!tpu.dma_semaphore, #tpu.memory_space<semaphore_mem>>) src(%arg21 : memref<80x128xf32, #tpu.memory_space<vmem>>) dst(%dma_wait3A_727 : memref<5064x128xf32, #tpu.memory_space<vmem_shared>>)
        } else {
        }
        %dma_wait3A_599 = arith.constant 0 : i32
        %dma_wait3A_600 = tpu.memref_slice %arg4[%dma_wait3A_599] : memref<320000xi32, #tpu.memory_space<hbm>> -> memref<80xi32, #tpu.memory_space<hbm>>
        %dma_wait3A_601 = arith.constant 0 : i32
        %dma_wait3A_602 = tpu.memref_slice %arg4[%dma_wait3A_601] : memref<320000xi32, #tpu.memory_space<hbm>> -> memref<80xi32, #tpu.memory_space<hbm>>
        tpu.wait_dma2 semaphore(%arg28 : memref<!tpu.dma_semaphore, #tpu.memory_space<semaphore_mem>>) src(%dma_wait3A_602 : memref<80xi32, #tpu.memory_space<hbm>>) dst(%arg6 : memref<80xi32, #tpu.memory_space<vmem>>)
        %dma_start3A_603 = arith.constant 0 : i32
        %dma_start3A_604 = arith.constant 0 : i32
        %dma_start3A_605 = tpu.memref_slice %arg2[%dma_start3A_603, %dma_start3A_604] : memref<10000x128xf32, #tpu.memory_space<hbm>> -> memref<10000x128xf32, #tpu.memory_space<hbm>>
        tpu.enqueue_indirect_dma source(%dma_start3A_605 : memref<10000x128xf32, #tpu.memory_space<hbm>>) target(%arg21 : memref<80x128xf32, #tpu.memory_space<vmem>>) offsets(%arg6 : memref<80xi32, #tpu.memory_space<vmem>>) semaphore(%arg38 : memref<!tpu.dma_semaphore, #tpu.memory_space<semaphore_mem>>)
        %dma_wait3A_606 = arith.constant 0 : i32
        %dma_wait3A_607 = tpu.memref_slice %arg3[%dma_wait3A_606] : memref<320000xi32, #tpu.memory_space<hbm>> -> memref<80xi32, #tpu.memory_space<hbm>>
        %dma_wait3A_608 = arith.constant 0 : i32
        %dma_wait3A_609 = tpu.memref_slice %arg3[%dma_wait3A_608] : memref<320000xi32, #tpu.memory_space<hbm>> -> memref<80xi32, #tpu.memory_space<hbm>>
        tpu.wait_dma2 semaphore(%arg33 : memref<!tpu.dma_semaphore, #tpu.memory_space<semaphore_mem>>) src(%dma_wait3A_609 : memref<80xi32, #tpu.memory_space<hbm>>) dst(%arg11 : memref<80xi32, #tpu.memory_space<vmem>>)
        %get3A_610 = arith.constant 0 : index
        %get3A_611 = tpu.vector_load %arg11[%get3A_610] {strides = array<i32>} : memref<80xi32, #tpu.memory_space<vmem>>, vector<16xi32>,
        %get3A_612 = vector.shape_cast %get3A_611 : vector<16xi32> to vector<16xi32>
        %sub3A_613 = vector.broadcast %mul3A_0 : i32 to vector<16xi32>
        %sub3A_614 = arith.subi %get3A_612, %sub3A_613 : vector<16xi32>
        %ge3A_615 = arith.constant 0 : i32
        %ge3A_616 = vector.broadcast %ge3A_615 : i32 to vector<16xi32>
        %ge3A_617 = arith.cmpi sge, %sub3A_614, %ge3A_616 : vector<16xi32>
        %lt3A_618 = arith.constant 5000 : i32
        %lt3A_619 = vector.broadcast %lt3A_618 : i32 to vector<16xi32>
        %lt3A_620 = arith.cmpi slt, %sub3A_614, %lt3A_619 : vector<16xi32>
        %and3A_621 = arith.andi %ge3A_617, %lt3A_620 : vector<16xi1>
        %and3A_622 = arith.constant 63 : i32
        %and3A_623 = vector.broadcast %and3A_622 : i32 to vector<16xi32>
        %and3A_624 = arith.andi %get3A_612, %and3A_623 : vector<16xi32>
        %add3A_625 = arith.constant 5000 : i32
        %add3A_626 = vector.broadcast %add3A_625 : i32 to vector<16xi32>
        %add3A_627 = arith.addi %add3A_626, %and3A_624 : vector<16xi32>
        %select_n3A_628 = arith.select %and3A_621, %sub3A_614, %add3A_627 : vector<16xi1>, vector<16xi32>
        %swap3A_629 = arith.constant 0 : index
        %swap3A_630 = tpu.vector_load %arg16[%swap3A_629] {strides = array<i32>} : memref<80xi32, #tpu.memory_space<vmem>>, vector<16xi32>,
        %swap3A_631 = vector.shape_cast %swap3A_630 : vector<16xi32> to vector<16xi32>
        %swap3A_632 = vector.shape_cast %select_n3A_628 : vector<16xi32> to vector<16xi32>
        tpu.vector_store %arg16[%swap3A_629], %swap3A_632 {strides = array<i32>} : memref<80xi32, #tpu.memory_space<vmem>>, vector<16xi32>,
        %get3A_633 = arith.constant 16 : index
        %get3A_634 = tpu.vector_load %arg11[%get3A_633] {strides = array<i32>} : memref<80xi32, #tpu.memory_space<vmem>>, vector<16xi32>,
        %get3A_635 = vector.shape_cast %get3A_634 : vector<16xi32> to vector<16xi32>
        %sub3A_636 = vector.broadcast %mul3A_0 : i32 to vector<16xi32>
        %sub3A_637 = arith.subi %get3A_635, %sub3A_636 : vector<16xi32>
        %ge3A_638 = arith.constant 0 : i32
        %ge3A_639 = vector.broadcast %ge3A_638 : i32 to vector<16xi32>
        %ge3A_640 = arith.cmpi sge, %sub3A_637, %ge3A_639 : vector<16xi32>
        %lt3A_641 = arith.constant 5000 : i32
        %lt3A_642 = vector.broadcast %lt3A_641 : i32 to vector<16xi32>
        %lt3A_643 = arith.cmpi slt, %sub3A_637, %lt3A_642 : vector<16xi32>
        %and3A_644 = arith.andi %ge3A_640, %lt3A_643 : vector<16xi1>
        %and3A_645 = arith.constant 63 : i32
        %and3A_646 = vector.broadcast %and3A_645 : i32 to vector<16xi32>
        %and3A_647 = arith.andi %get3A_635, %and3A_646 : vector<16xi32>
        %add3A_648 = arith.constant 5000 : i32
        %add3A_649 = vector.broadcast %add3A_648 : i32 to vector<16xi32>
        %add3A_650 = arith.addi %add3A_649, %and3A_647 : vector<16xi32>
        %select_n3A_651 = arith.select %and3A_644, %sub3A_637, %add3A_650 : vector<16xi1>, vector<16xi32>
        %swap3A_652 = arith.constant 16 : index
        %swap3A_653 = tpu.vector_load %arg16[%swap3A_652] {strides = array<i32>} : memref<80xi32, #tpu.memory_space<vmem>>, vector<16xi32>,
        %swap3A_654 = vector.shape_cast %swap3A_653 : vector<16xi32> to vector<16xi32>
        %swap3A_655 = vector.shape_cast %select_n3A_651 : vector<16xi32> to vector<16xi32>
        tpu.vector_store %arg16[%swap3A_652], %swap3A_655 {strides = array<i32>} : memref<80xi32, #tpu.memory_space<vmem>>, vector<16xi32>,
        %get3A_656 = arith.constant 32 : index
        %get3A_657 = tpu.vector_load %arg11[%get3A_656] {strides = array<i32>} : memref<80xi32, #tpu.memory_space<vmem>>, vector<16xi32>,
        %get3A_658 = vector.shape_cast %get3A_657 : vector<16xi32> to vector<16xi32>
        %sub3A_659 = vector.broadcast %mul3A_0 : i32 to vector<16xi32>
        %sub3A_660 = arith.subi %get3A_658, %sub3A_659 : vector<16xi32>
        %ge3A_661 = arith.constant 0 : i32
        %ge3A_662 = vector.broadcast %ge3A_661 : i32 to vector<16xi32>
        %ge3A_663 = arith.cmpi sge, %sub3A_660, %ge3A_662 : vector<16xi32>
        %lt3A_664 = arith.constant 5000 : i32
        %lt3A_665 = vector.broadcast %lt3A_664 : i32 to vector<16xi32>
        %lt3A_666 = arith.cmpi slt, %sub3A_660, %lt3A_665 : vector<16xi32>
        %and3A_667 = arith.andi %ge3A_663, %lt3A_666 : vector<16xi1>
        %and3A_668 = arith.constant 63 : i32
        %and3A_669 = vector.broadcast %and3A_668 : i32 to vector<16xi32>
        %and3A_670 = arith.andi %get3A_658, %and3A_669 : vector<16xi32>
        %add3A_671 = arith.constant 5000 : i32
        %add3A_672 = vector.broadcast %add3A_671 : i32 to vector<16xi32>
        %add3A_673 = arith.addi %add3A_672, %and3A_670 : vector<16xi32>
        %select_n3A_674 = arith.select %and3A_667, %sub3A_660, %add3A_673 : vector<16xi1>, vector<16xi32>
        %swap3A_675 = arith.constant 32 : index
        %swap3A_676 = tpu.vector_load %arg16[%swap3A_675] {strides = array<i32>} : memref<80xi32, #tpu.memory_space<vmem>>, vector<16xi32>,
        %swap3A_677 = vector.shape_cast %swap3A_676 : vector<16xi32> to vector<16xi32>
        %swap3A_678 = vector.shape_cast %select_n3A_674 : vector<16xi32> to vector<16xi32>
        tpu.vector_store %arg16[%swap3A_675], %swap3A_678 {strides = array<i32>} : memref<80xi32, #tpu.memory_space<vmem>>, vector<16xi32>,
        %get3A_679 = arith.constant 48 : index
        %get3A_680 = tpu.vector_load %arg11[%get3A_679] {strides = array<i32>} : memref<80xi32, #tpu.memory_space<vmem>>, vector<16xi32>,
        %get3A_681 = vector.shape_cast %get3A_680 : vector<16xi32> to vector<16xi32>
        %sub3A_682 = vector.broadcast %mul3A_0 : i32 to vector<16xi32>
        %sub3A_683 = arith.subi %get3A_681, %sub3A_682 : vector<16xi32>
        %ge3A_684 = arith.constant 0 : i32
        %ge3A_685 = vector.broadcast %ge3A_684 : i32 to vector<16xi32>
        %ge3A_686 = arith.cmpi sge, %sub3A_683, %ge3A_685 : vector<16xi32>
        %lt3A_687 = arith.constant 5000 : i32
        %lt3A_688 = vector.broadcast %lt3A_687 : i32 to vector<16xi32>
        %lt3A_689 = arith.cmpi slt, %sub3A_683, %lt3A_688 : vector<16xi32>
        %and3A_690 = arith.andi %ge3A_686, %lt3A_689 : vector<16xi1>
        %and3A_691 = arith.constant 63 : i32
        %and3A_692 = vector.broadcast %and3A_691 : i32 to vector<16xi32>
        %and3A_693 = arith.andi %get3A_681, %and3A_692 : vector<16xi32>
        %add3A_694 = arith.constant 5000 : i32
        %add3A_695 = vector.broadcast %add3A_694 : i32 to vector<16xi32>
        %add3A_696 = arith.addi %add3A_695, %and3A_693 : vector<16xi32>
        %select_n3A_697 = arith.select %and3A_690, %sub3A_683, %add3A_696 : vector<16xi1>, vector<16xi32>
        %swap3A_698 = arith.constant 48 : index
        %swap3A_699 = tpu.vector_load %arg16[%swap3A_698] {strides = array<i32>} : memref<80xi32, #tpu.memory_space<vmem>>, vector<16xi32>,
        %swap3A_700 = vector.shape_cast %swap3A_699 : vector<16xi32> to vector<16xi32>
        %swap3A_701 = vector.shape_cast %select_n3A_697 : vector<16xi32> to vector<16xi32>
        tpu.vector_store %arg16[%swap3A_698], %swap3A_701 {strides = array<i32>} : memref<80xi32, #tpu.memory_space<vmem>>, vector<16xi32>,
        %get3A_702 = arith.constant 64 : index
        %get3A_703 = tpu.vector_load %arg11[%get3A_702] {strides = array<i32>} : memref<80xi32, #tpu.memory_space<vmem>>, vector<16xi32>,
        %get3A_704 = vector.shape_cast %get3A_703 : vector<16xi32> to vector<16xi32>
        %sub3A_705 = vector.broadcast %mul3A_0 : i32 to vector<16xi32>
        %sub3A_706 = arith.subi %get3A_704, %sub3A_705 : vector<16xi32>
        %ge3A_707 = arith.constant 0 : i32
        %ge3A_708 = vector.broadcast %ge3A_707 : i32 to vector<16xi32>
        %ge3A_709 = arith.cmpi sge, %sub3A_706, %ge3A_708 : vector<16xi32>
        %lt3A_710 = arith.constant 5000 : i32
        %lt3A_711 = vector.broadcast %lt3A_710 : i32 to vector<16xi32>
        %lt3A_712 = arith.cmpi slt, %sub3A_706, %lt3A_711 : vector<16xi32>
        %and3A_713 = arith.andi %ge3A_709, %lt3A_712 : vector<16xi1>
        %and3A_714 = arith.constant 63 : i32
        %and3A_715 = vector.broadcast %and3A_714 : i32 to vector<16xi32>
        %and3A_716 = arith.andi %get3A_704, %and3A_715 : vector<16xi32>
        %add3A_717 = arith.constant 5000 : i32
        %add3A_718 = vector.broadcast %add3A_717 : i32 to vector<16xi32>
        %add3A_719 = arith.addi %add3A_718, %and3A_716 : vector<16xi32>
        %select_n3A_720 = arith.select %and3A_713, %sub3A_706, %add3A_719 : vector<16xi1>, vector<16xi32>
        %swap3A_721 = arith.constant 64 : index
        %swap3A_722 = tpu.vector_load %arg16[%swap3A_721] {strides = array<i32>} : memref<80xi32, #tpu.memory_space<vmem>>, vector<16xi32>,
        %swap3A_723 = vector.shape_cast %swap3A_722 : vector<16xi32> to vector<16xi32>
        %swap3A_724 = vector.shape_cast %select_n3A_720 : vector<16xi32> to vector<16xi32>
        tpu.vector_store %arg16[%swap3A_721], %swap3A_724 {strides = array<i32>} : memref<80xi32, #tpu.memory_space<vmem>>, vector<16xi32>,
      } else {
      }
      %dma_wait3A_540 = arith.constant 0 : i32
      %dma_wait3A_541 = arith.constant 0 : i32
      %dma_wait3A_542 = tpu.memref_slice %arg2[%dma_wait3A_540, %dma_wait3A_541] : memref<10000x128xf32, #tpu.memory_space<hbm>> -> memref<10000x128xf32, #tpu.memory_space<hbm>>
      tpu.wait_indirect_dma semaphore(%arg40 : memref<!tpu.dma_semaphore, #tpu.memory_space<semaphore_mem>>) src(%dma_wait3A_542 : memref<10000x128xf32, #tpu.memory_space<hbm>>) dst(%arg23 : memref<80x128xf32, #tpu.memory_space<vmem>>)
      %dma_start3A_543 = arith.constant 0 : i32
      %dma_start3A_544 = arith.constant 0 : i32
      %dma_start3A_545 = tpu.memref_slice %arg27[%dma_start3A_543, %dma_start3A_544] : memref<5064x128xf32, #tpu.memory_space<vmem_shared>> -> memref<5064x128xf32, #tpu.memory_space<vmem_shared>>
      tpu.enqueue_indirect_dma source(%arg23 : memref<80x128xf32, #tpu.memory_space<vmem>>) target(%dma_start3A_545 : memref<5064x128xf32, #tpu.memory_space<vmem_shared>>) offsets(%arg18 : memref<80xi32, #tpu.memory_space<vmem>>) semaphore(%arg45 : memref<!tpu.dma_semaphore, #tpu.memory_space<semaphore_mem>>) {add = true}
      %mul3A_546 = arith.constant 5 : i32
      %mul3A_547 = arith.muli %scan3A_473, %mul3A_546 : i32
      %add3A_548 = arith.constant 3 : i32
      %add3A_549 = arith.addi %mul3A_547, %add3A_548 : i32
      %add3A_550 = arith.constant 4 : i32
      %add3A_551 = arith.addi %add3A_549, %add3A_550 : i32
      %add3A_552 = arith.constant 3 : i32
      %add3A_553 = arith.addi %add3A_549, %add3A_552 : i32
      %lt3A_554 = arith.constant 250 : i32
      %lt3A_555 = arith.cmpi slt, %add3A_551, %lt3A_554 : i32
      %convert_element_type3A_556 = arith.extui %lt3A_555 : i1 to i32
      %cond3A_557 = arith.constant 0 : i32
      %cond3A_558 = arith.cmpi ne, %convert_element_type3A_556, %cond3A_557 : i32
      scf.if %cond3A_558 {
        %add3A_594 = arith.addi %add3A_551, %mul3A_18 : i32
        %rem3A_595 = arith.constant 250 : i32
        %rem3A_596 = arith.remsi %add3A_594, %rem3A_595 : i32
        %mul3A_597 = arith.constant 80 : i32
        %mul3A_598 = arith.muli %rem3A_596, %mul3A_597 : i32
        %add3A_599 = arith.addi %mul3A_2, %mul3A_598 : i32
        %dma_start3A_600 = tpu.memref_slice %arg4[%add3A_599] : memref<320000xi32, #tpu.memory_space<hbm>> -> memref<80xi32, #tpu.memory_space<hbm>>
        %dma_start3A_601 = tpu.memref_slice %arg4[%add3A_599] : memref<320000xi32, #tpu.memory_space<hbm>> -> memref<80xi32, #tpu.memory_space<hbm>>
        tpu.enqueue_dma source(%dma_start3A_601 : memref<80xi32, #tpu.memory_space<hbm>>) target(%arg8 : memref<80xi32, #tpu.memory_space<vmem>>) target_semaphore(%arg30 : memref<!tpu.dma_semaphore, #tpu.memory_space<semaphore_mem>>)
        %dma_start3A_602 = tpu.memref_slice %arg3[%add3A_599] : memref<320000xi32, #tpu.memory_space<hbm>> -> memref<80xi32, #tpu.memory_space<hbm>>
        %dma_start3A_603 = tpu.memref_slice %arg3[%add3A_599] : memref<320000xi32, #tpu.memory_space<hbm>> -> memref<80xi32, #tpu.memory_space<hbm>>
        tpu.enqueue_dma source(%dma_start3A_603 : memref<80xi32, #tpu.memory_space<hbm>>) target(%arg13 : memref<80xi32, #tpu.memory_space<vmem>>) target_semaphore(%arg35 : memref<!tpu.dma_semaphore, #tpu.memory_space<semaphore_mem>>)
      } else {
      }
      %lt3A_559 = arith.constant 250 : i32
      %lt3A_560 = arith.cmpi slt, %add3A_553, %lt3A_559 : i32
      %convert_element_type3A_561 = arith.extui %lt3A_560 : i1 to i32
      %cond3A_562 = arith.constant 0 : i32
      %cond3A_563 = arith.cmpi ne, %convert_element_type3A_561, %cond3A_562 : i32
      scf.if %cond3A_563 {
        %ge3A_594 = arith.constant 5 : i32
        %ge3A_595 = arith.cmpi sge, %add3A_553, %ge3A_594 : i32
        %convert_element_type3A_596 = arith.extui %ge3A_595 : i1 to i32
        %cond3A_597 = arith.constant 0 : i32
        %cond3A_598 = arith.cmpi ne, %convert_element_type3A_596, %cond3A_597 : i32
        scf.if %cond3A_598 {
          %dma_wait3A_725 = arith.constant 0 : i32
          %dma_wait3A_726 = arith.constant 0 : i32
          %dma_wait3A_727 = tpu.memref_slice %arg27[%dma_wait3A_725, %dma_wait3A_726] : memref<5064x128xf32, #tpu.memory_space<vmem_shared>> -> memref<5064x128xf32, #tpu.memory_space<vmem_shared>>
          tpu.wait_indirect_dma semaphore(%arg44 : memref<!tpu.dma_semaphore, #tpu.memory_space<semaphore_mem>>) src(%arg22 : memref<80x128xf32, #tpu.memory_space<vmem>>) dst(%dma_wait3A_727 : memref<5064x128xf32, #tpu.memory_space<vmem_shared>>)
        } else {
        }
        %dma_wait3A_599 = arith.constant 0 : i32
        %dma_wait3A_600 = tpu.memref_slice %arg4[%dma_wait3A_599] : memref<320000xi32, #tpu.memory_space<hbm>> -> memref<80xi32, #tpu.memory_space<hbm>>
        %dma_wait3A_601 = arith.constant 0 : i32
        %dma_wait3A_602 = tpu.memref_slice %arg4[%dma_wait3A_601] : memref<320000xi32, #tpu.memory_space<hbm>> -> memref<80xi32, #tpu.memory_space<hbm>>
        tpu.wait_dma2 semaphore(%arg29 : memref<!tpu.dma_semaphore, #tpu.memory_space<semaphore_mem>>) src(%dma_wait3A_602 : memref<80xi32, #tpu.memory_space<hbm>>) dst(%arg7 : memref<80xi32, #tpu.memory_space<vmem>>)
        %dma_start3A_603 = arith.constant 0 : i32
        %dma_start3A_604 = arith.constant 0 : i32
        %dma_start3A_605 = tpu.memref_slice %arg2[%dma_start3A_603, %dma_start3A_604] : memref<10000x128xf32, #tpu.memory_space<hbm>> -> memref<10000x128xf32, #tpu.memory_space<hbm>>
        tpu.enqueue_indirect_dma source(%dma_start3A_605 : memref<10000x128xf32, #tpu.memory_space<hbm>>) target(%arg22 : memref<80x128xf32, #tpu.memory_space<vmem>>) offsets(%arg7 : memref<80xi32, #tpu.memory_space<vmem>>) semaphore(%arg39 : memref<!tpu.dma_semaphore, #tpu.memory_space<semaphore_mem>>)
        %dma_wait3A_606 = arith.constant 0 : i32
        %dma_wait3A_607 = tpu.memref_slice %arg3[%dma_wait3A_606] : memref<320000xi32, #tpu.memory_space<hbm>> -> memref<80xi32, #tpu.memory_space<hbm>>
        %dma_wait3A_608 = arith.constant 0 : i32
        %dma_wait3A_609 = tpu.memref_slice %arg3[%dma_wait3A_608] : memref<320000xi32, #tpu.memory_space<hbm>> -> memref<80xi32, #tpu.memory_space<hbm>>
        tpu.wait_dma2 semaphore(%arg34 : memref<!tpu.dma_semaphore, #tpu.memory_space<semaphore_mem>>) src(%dma_wait3A_609 : memref<80xi32, #tpu.memory_space<hbm>>) dst(%arg12 : memref<80xi32, #tpu.memory_space<vmem>>)
        %get3A_610 = arith.constant 0 : index
        %get3A_611 = tpu.vector_load %arg12[%get3A_610] {strides = array<i32>} : memref<80xi32, #tpu.memory_space<vmem>>, vector<16xi32>,
        %get3A_612 = vector.shape_cast %get3A_611 : vector<16xi32> to vector<16xi32>
        %sub3A_613 = vector.broadcast %mul3A_0 : i32 to vector<16xi32>
        %sub3A_614 = arith.subi %get3A_612, %sub3A_613 : vector<16xi32>
        %ge3A_615 = arith.constant 0 : i32
        %ge3A_616 = vector.broadcast %ge3A_615 : i32 to vector<16xi32>
        %ge3A_617 = arith.cmpi sge, %sub3A_614, %ge3A_616 : vector<16xi32>
        %lt3A_618 = arith.constant 5000 : i32
        %lt3A_619 = vector.broadcast %lt3A_618 : i32 to vector<16xi32>
        %lt3A_620 = arith.cmpi slt, %sub3A_614, %lt3A_619 : vector<16xi32>
        %and3A_621 = arith.andi %ge3A_617, %lt3A_620 : vector<16xi1>
        %and3A_622 = arith.constant 63 : i32
        %and3A_623 = vector.broadcast %and3A_622 : i32 to vector<16xi32>
        %and3A_624 = arith.andi %get3A_612, %and3A_623 : vector<16xi32>
        %add3A_625 = arith.constant 5000 : i32
        %add3A_626 = vector.broadcast %add3A_625 : i32 to vector<16xi32>
        %add3A_627 = arith.addi %add3A_626, %and3A_624 : vector<16xi32>
        %select_n3A_628 = arith.select %and3A_621, %sub3A_614, %add3A_627 : vector<16xi1>, vector<16xi32>
        %swap3A_629 = arith.constant 0 : index
        %swap3A_630 = tpu.vector_load %arg17[%swap3A_629] {strides = array<i32>} : memref<80xi32, #tpu.memory_space<vmem>>, vector<16xi32>,
        %swap3A_631 = vector.shape_cast %swap3A_630 : vector<16xi32> to vector<16xi32>
        %swap3A_632 = vector.shape_cast %select_n3A_628 : vector<16xi32> to vector<16xi32>
        tpu.vector_store %arg17[%swap3A_629], %swap3A_632 {strides = array<i32>} : memref<80xi32, #tpu.memory_space<vmem>>, vector<16xi32>,
        %get3A_633 = arith.constant 16 : index
        %get3A_634 = tpu.vector_load %arg12[%get3A_633] {strides = array<i32>} : memref<80xi32, #tpu.memory_space<vmem>>, vector<16xi32>,
        %get3A_635 = vector.shape_cast %get3A_634 : vector<16xi32> to vector<16xi32>
        %sub3A_636 = vector.broadcast %mul3A_0 : i32 to vector<16xi32>
        %sub3A_637 = arith.subi %get3A_635, %sub3A_636 : vector<16xi32>
        %ge3A_638 = arith.constant 0 : i32
        %ge3A_639 = vector.broadcast %ge3A_638 : i32 to vector<16xi32>
        %ge3A_640 = arith.cmpi sge, %sub3A_637, %ge3A_639 : vector<16xi32>
        %lt3A_641 = arith.constant 5000 : i32
        %lt3A_642 = vector.broadcast %lt3A_641 : i32 to vector<16xi32>
        %lt3A_643 = arith.cmpi slt, %sub3A_637, %lt3A_642 : vector<16xi32>
        %and3A_644 = arith.andi %ge3A_640, %lt3A_643 : vector<16xi1>
        %and3A_645 = arith.constant 63 : i32
        %and3A_646 = vector.broadcast %and3A_645 : i32 to vector<16xi32>
        %and3A_647 = arith.andi %get3A_635, %and3A_646 : vector<16xi32>
        %add3A_648 = arith.constant 5000 : i32
        %add3A_649 = vector.broadcast %add3A_648 : i32 to vector<16xi32>
        %add3A_650 = arith.addi %add3A_649, %and3A_647 : vector<16xi32>
        %select_n3A_651 = arith.select %and3A_644, %sub3A_637, %add3A_650 : vector<16xi1>, vector<16xi32>
        %swap3A_652 = arith.constant 16 : index
        %swap3A_653 = tpu.vector_load %arg17[%swap3A_652] {strides = array<i32>} : memref<80xi32, #tpu.memory_space<vmem>>, vector<16xi32>,
        %swap3A_654 = vector.shape_cast %swap3A_653 : vector<16xi32> to vector<16xi32>
        %swap3A_655 = vector.shape_cast %select_n3A_651 : vector<16xi32> to vector<16xi32>
        tpu.vector_store %arg17[%swap3A_652], %swap3A_655 {strides = array<i32>} : memref<80xi32, #tpu.memory_space<vmem>>, vector<16xi32>,
        %get3A_656 = arith.constant 32 : index
        %get3A_657 = tpu.vector_load %arg12[%get3A_656] {strides = array<i32>} : memref<80xi32, #tpu.memory_space<vmem>>, vector<16xi32>,
        %get3A_658 = vector.shape_cast %get3A_657 : vector<16xi32> to vector<16xi32>
        %sub3A_659 = vector.broadcast %mul3A_0 : i32 to vector<16xi32>
        %sub3A_660 = arith.subi %get3A_658, %sub3A_659 : vector<16xi32>
        %ge3A_661 = arith.constant 0 : i32
        %ge3A_662 = vector.broadcast %ge3A_661 : i32 to vector<16xi32>
        %ge3A_663 = arith.cmpi sge, %sub3A_660, %ge3A_662 : vector<16xi32>
        %lt3A_664 = arith.constant 5000 : i32
        %lt3A_665 = vector.broadcast %lt3A_664 : i32 to vector<16xi32>
        %lt3A_666 = arith.cmpi slt, %sub3A_660, %lt3A_665 : vector<16xi32>
        %and3A_667 = arith.andi %ge3A_663, %lt3A_666 : vector<16xi1>
        %and3A_668 = arith.constant 63 : i32
        %and3A_669 = vector.broadcast %and3A_668 : i32 to vector<16xi32>
        %and3A_670 = arith.andi %get3A_658, %and3A_669 : vector<16xi32>
        %add3A_671 = arith.constant 5000 : i32
        %add3A_672 = vector.broadcast %add3A_671 : i32 to vector<16xi32>
        %add3A_673 = arith.addi %add3A_672, %and3A_670 : vector<16xi32>
        %select_n3A_674 = arith.select %and3A_667, %sub3A_660, %add3A_673 : vector<16xi1>, vector<16xi32>
        %swap3A_675 = arith.constant 32 : index
        %swap3A_676 = tpu.vector_load %arg17[%swap3A_675] {strides = array<i32>} : memref<80xi32, #tpu.memory_space<vmem>>, vector<16xi32>,
        %swap3A_677 = vector.shape_cast %swap3A_676 : vector<16xi32> to vector<16xi32>
        %swap3A_678 = vector.shape_cast %select_n3A_674 : vector<16xi32> to vector<16xi32>
        tpu.vector_store %arg17[%swap3A_675], %swap3A_678 {strides = array<i32>} : memref<80xi32, #tpu.memory_space<vmem>>, vector<16xi32>,
        %get3A_679 = arith.constant 48 : index
        %get3A_680 = tpu.vector_load %arg12[%get3A_679] {strides = array<i32>} : memref<80xi32, #tpu.memory_space<vmem>>, vector<16xi32>,
        %get3A_681 = vector.shape_cast %get3A_680 : vector<16xi32> to vector<16xi32>
        %sub3A_682 = vector.broadcast %mul3A_0 : i32 to vector<16xi32>
        %sub3A_683 = arith.subi %get3A_681, %sub3A_682 : vector<16xi32>
        %ge3A_684 = arith.constant 0 : i32
        %ge3A_685 = vector.broadcast %ge3A_684 : i32 to vector<16xi32>
        %ge3A_686 = arith.cmpi sge, %sub3A_683, %ge3A_685 : vector<16xi32>
        %lt3A_687 = arith.constant 5000 : i32
        %lt3A_688 = vector.broadcast %lt3A_687 : i32 to vector<16xi32>
        %lt3A_689 = arith.cmpi slt, %sub3A_683, %lt3A_688 : vector<16xi32>
        %and3A_690 = arith.andi %ge3A_686, %lt3A_689 : vector<16xi1>
        %and3A_691 = arith.constant 63 : i32
        %and3A_692 = vector.broadcast %and3A_691 : i32 to vector<16xi32>
        %and3A_693 = arith.andi %get3A_681, %and3A_692 : vector<16xi32>
        %add3A_694 = arith.constant 5000 : i32
        %add3A_695 = vector.broadcast %add3A_694 : i32 to vector<16xi32>
        %add3A_696 = arith.addi %add3A_695, %and3A_693 : vector<16xi32>
        %select_n3A_697 = arith.select %and3A_690, %sub3A_683, %add3A_696 : vector<16xi1>, vector<16xi32>
        %swap3A_698 = arith.constant 48 : index
        %swap3A_699 = tpu.vector_load %arg17[%swap3A_698] {strides = array<i32>} : memref<80xi32, #tpu.memory_space<vmem>>, vector<16xi32>,
        %swap3A_700 = vector.shape_cast %swap3A_699 : vector<16xi32> to vector<16xi32>
        %swap3A_701 = vector.shape_cast %select_n3A_697 : vector<16xi32> to vector<16xi32>
        tpu.vector_store %arg17[%swap3A_698], %swap3A_701 {strides = array<i32>} : memref<80xi32, #tpu.memory_space<vmem>>, vector<16xi32>,
        %get3A_702 = arith.constant 64 : index
        %get3A_703 = tpu.vector_load %arg12[%get3A_702] {strides = array<i32>} : memref<80xi32, #tpu.memory_space<vmem>>, vector<16xi32>,
        %get3A_704 = vector.shape_cast %get3A_703 : vector<16xi32> to vector<16xi32>
        %sub3A_705 = vector.broadcast %mul3A_0 : i32 to vector<16xi32>
        %sub3A_706 = arith.subi %get3A_704, %sub3A_705 : vector<16xi32>
        %ge3A_707 = arith.constant 0 : i32
        %ge3A_708 = vector.broadcast %ge3A_707 : i32 to vector<16xi32>
        %ge3A_709 = arith.cmpi sge, %sub3A_706, %ge3A_708 : vector<16xi32>
        %lt3A_710 = arith.constant 5000 : i32
        %lt3A_711 = vector.broadcast %lt3A_710 : i32 to vector<16xi32>
        %lt3A_712 = arith.cmpi slt, %sub3A_706, %lt3A_711 : vector<16xi32>
        %and3A_713 = arith.andi %ge3A_709, %lt3A_712 : vector<16xi1>
        %and3A_714 = arith.constant 63 : i32
        %and3A_715 = vector.broadcast %and3A_714 : i32 to vector<16xi32>
        %and3A_716 = arith.andi %get3A_704, %and3A_715 : vector<16xi32>
        %add3A_717 = arith.constant 5000 : i32
        %add3A_718 = vector.broadcast %add3A_717 : i32 to vector<16xi32>
        %add3A_719 = arith.addi %add3A_718, %and3A_716 : vector<16xi32>
        %select_n3A_720 = arith.select %and3A_713, %sub3A_706, %add3A_719 : vector<16xi1>, vector<16xi32>
        %swap3A_721 = arith.constant 64 : index
        %swap3A_722 = tpu.vector_load %arg17[%swap3A_721] {strides = array<i32>} : memref<80xi32, #tpu.memory_space<vmem>>, vector<16xi32>,
        %swap3A_723 = vector.shape_cast %swap3A_722 : vector<16xi32> to vector<16xi32>
        %swap3A_724 = vector.shape_cast %select_n3A_720 : vector<16xi32> to vector<16xi32>
        tpu.vector_store %arg17[%swap3A_721], %swap3A_724 {strides = array<i32>} : memref<80xi32, #tpu.memory_space<vmem>>, vector<16xi32>,
      } else {
      }
      %dma_wait3A_564 = arith.constant 0 : i32
      %dma_wait3A_565 = arith.constant 0 : i32
      %dma_wait3A_566 = tpu.memref_slice %arg2[%dma_wait3A_564, %dma_wait3A_565] : memref<10000x128xf32, #tpu.memory_space<hbm>> -> memref<10000x128xf32, #tpu.memory_space<hbm>>
      tpu.wait_indirect_dma semaphore(%arg41 : memref<!tpu.dma_semaphore, #tpu.memory_space<semaphore_mem>>) src(%dma_wait3A_566 : memref<10000x128xf32, #tpu.memory_space<hbm>>) dst(%arg24 : memref<80x128xf32, #tpu.memory_space<vmem>>)
      %dma_start3A_567 = arith.constant 0 : i32
      %dma_start3A_568 = arith.constant 0 : i32
      %dma_start3A_569 = tpu.memref_slice %arg27[%dma_start3A_567, %dma_start3A_568] : memref<5064x128xf32, #tpu.memory_space<vmem_shared>> -> memref<5064x128xf32, #tpu.memory_space<vmem_shared>>
      tpu.enqueue_indirect_dma source(%arg24 : memref<80x128xf32, #tpu.memory_space<vmem>>) target(%dma_start3A_569 : memref<5064x128xf32, #tpu.memory_space<vmem_shared>>) offsets(%arg19 : memref<80xi32, #tpu.memory_space<vmem>>) semaphore(%arg46 : memref<!tpu.dma_semaphore, #tpu.memory_space<semaphore_mem>>) {add = true}
      %mul3A_570 = arith.constant 5 : i32
      %mul3A_571 = arith.muli %scan3A_473, %mul3A_570 : i32
      %add3A_572 = arith.constant 4 : i32
      %add3A_573 = arith.addi %mul3A_571, %add3A_572 : i32
      %add3A_574 = arith.constant 4 : i32
      %add3A_575 = arith.addi %add3A_573, %add3A_574 : i32
      %add3A_576 = arith.constant 3 : i32
      %add3A_577 = arith.addi %add3A_573, %add3A_576 : i32
      %lt3A_578 = arith.constant 250 : i32
      %lt3A_579 = arith.cmpi slt, %add3A_575, %lt3A_578 : i32
      %convert_element_type3A_580 = arith.extui %lt3A_579 : i1 to i32
      %cond3A_581 = arith.constant 0 : i32
      %cond3A_582 = arith.cmpi ne, %convert_element_type3A_580, %cond3A_581 : i32
      scf.if %cond3A_582 {
        %add3A_594 = arith.addi %add3A_575, %mul3A_18 : i32
        %rem3A_595 = arith.constant 250 : i32
        %rem3A_596 = arith.remsi %add3A_594, %rem3A_595 : i32
        %mul3A_597 = arith.constant 80 : i32
        %mul3A_598 = arith.muli %rem3A_596, %mul3A_597 : i32
        %add3A_599 = arith.addi %mul3A_2, %mul3A_598 : i32
        %dma_start3A_600 = tpu.memref_slice %arg4[%add3A_599] : memref<320000xi32, #tpu.memory_space<hbm>> -> memref<80xi32, #tpu.memory_space<hbm>>
        %dma_start3A_601 = tpu.memref_slice %arg4[%add3A_599] : memref<320000xi32, #tpu.memory_space<hbm>> -> memref<80xi32, #tpu.memory_space<hbm>>
        tpu.enqueue_dma source(%dma_start3A_601 : memref<80xi32, #tpu.memory_space<hbm>>) target(%arg9 : memref<80xi32, #tpu.memory_space<vmem>>) target_semaphore(%arg31 : memref<!tpu.dma_semaphore, #tpu.memory_space<semaphore_mem>>)
        %dma_start3A_602 = tpu.memref_slice %arg3[%add3A_599] : memref<320000xi32, #tpu.memory_space<hbm>> -> memref<80xi32, #tpu.memory_space<hbm>>
        %dma_start3A_603 = tpu.memref_slice %arg3[%add3A_599] : memref<320000xi32, #tpu.memory_space<hbm>> -> memref<80xi32, #tpu.memory_space<hbm>>
        tpu.enqueue_dma source(%dma_start3A_603 : memref<80xi32, #tpu.memory_space<hbm>>) target(%arg14 : memref<80xi32, #tpu.memory_space<vmem>>) target_semaphore(%arg36 : memref<!tpu.dma_semaphore, #tpu.memory_space<semaphore_mem>>)
      } else {
      }
      %lt3A_583 = arith.constant 250 : i32
      %lt3A_584 = arith.cmpi slt, %add3A_577, %lt3A_583 : i32
      %convert_element_type3A_585 = arith.extui %lt3A_584 : i1 to i32
      %cond3A_586 = arith.constant 0 : i32
      %cond3A_587 = arith.cmpi ne, %convert_element_type3A_585, %cond3A_586 : i32
      scf.if %cond3A_587 {
        %ge3A_594 = arith.constant 5 : i32
        %ge3A_595 = arith.cmpi sge, %add3A_577, %ge3A_594 : i32
        %convert_element_type3A_596 = arith.extui %ge3A_595 : i1 to i32
        %cond3A_597 = arith.constant 0 : i32
        %cond3A_598 = arith.cmpi ne, %convert_element_type3A_596, %cond3A_597 : i32
        scf.if %cond3A_598 {
          %dma_wait3A_725 = arith.constant 0 : i32
          %dma_wait3A_726 = arith.constant 0 : i32
          %dma_wait3A_727 = tpu.memref_slice %arg27[%dma_wait3A_725, %dma_wait3A_726] : memref<5064x128xf32, #tpu.memory_space<vmem_shared>> -> memref<5064x128xf32, #tpu.memory_space<vmem_shared>>
          tpu.wait_indirect_dma semaphore(%arg45 : memref<!tpu.dma_semaphore, #tpu.memory_space<semaphore_mem>>) src(%arg23 : memref<80x128xf32, #tpu.memory_space<vmem>>) dst(%dma_wait3A_727 : memref<5064x128xf32, #tpu.memory_space<vmem_shared>>)
        } else {
        }
        %dma_wait3A_599 = arith.constant 0 : i32
        %dma_wait3A_600 = tpu.memref_slice %arg4[%dma_wait3A_599] : memref<320000xi32, #tpu.memory_space<hbm>> -> memref<80xi32, #tpu.memory_space<hbm>>
        %dma_wait3A_601 = arith.constant 0 : i32
        %dma_wait3A_602 = tpu.memref_slice %arg4[%dma_wait3A_601] : memref<320000xi32, #tpu.memory_space<hbm>> -> memref<80xi32, #tpu.memory_space<hbm>>
        tpu.wait_dma2 semaphore(%arg30 : memref<!tpu.dma_semaphore, #tpu.memory_space<semaphore_mem>>) src(%dma_wait3A_602 : memref<80xi32, #tpu.memory_space<hbm>>) dst(%arg8 : memref<80xi32, #tpu.memory_space<vmem>>)
        %dma_start3A_603 = arith.constant 0 : i32
        %dma_start3A_604 = arith.constant 0 : i32
        %dma_start3A_605 = tpu.memref_slice %arg2[%dma_start3A_603, %dma_start3A_604] : memref<10000x128xf32, #tpu.memory_space<hbm>> -> memref<10000x128xf32, #tpu.memory_space<hbm>>
        tpu.enqueue_indirect_dma source(%dma_start3A_605 : memref<10000x128xf32, #tpu.memory_space<hbm>>) target(%arg23 : memref<80x128xf32, #tpu.memory_space<vmem>>) offsets(%arg8 : memref<80xi32, #tpu.memory_space<vmem>>) semaphore(%arg40 : memref<!tpu.dma_semaphore, #tpu.memory_space<semaphore_mem>>)
        %dma_wait3A_606 = arith.constant 0 : i32
        %dma_wait3A_607 = tpu.memref_slice %arg3[%dma_wait3A_606] : memref<320000xi32, #tpu.memory_space<hbm>> -> memref<80xi32, #tpu.memory_space<hbm>>
        %dma_wait3A_608 = arith.constant 0 : i32
        %dma_wait3A_609 = tpu.memref_slice %arg3[%dma_wait3A_608] : memref<320000xi32, #tpu.memory_space<hbm>> -> memref<80xi32, #tpu.memory_space<hbm>>
        tpu.wait_dma2 semaphore(%arg35 : memref<!tpu.dma_semaphore, #tpu.memory_space<semaphore_mem>>) src(%dma_wait3A_609 : memref<80xi32, #tpu.memory_space<hbm>>) dst(%arg13 : memref<80xi32, #tpu.memory_space<vmem>>)
        %get3A_610 = arith.constant 0 : index
        %get3A_611 = tpu.vector_load %arg13[%get3A_610] {strides = array<i32>} : memref<80xi32, #tpu.memory_space<vmem>>, vector<16xi32>,
        %get3A_612 = vector.shape_cast %get3A_611 : vector<16xi32> to vector<16xi32>
        %sub3A_613 = vector.broadcast %mul3A_0 : i32 to vector<16xi32>
        %sub3A_614 = arith.subi %get3A_612, %sub3A_613 : vector<16xi32>
        %ge3A_615 = arith.constant 0 : i32
        %ge3A_616 = vector.broadcast %ge3A_615 : i32 to vector<16xi32>
        %ge3A_617 = arith.cmpi sge, %sub3A_614, %ge3A_616 : vector<16xi32>
        %lt3A_618 = arith.constant 5000 : i32
        %lt3A_619 = vector.broadcast %lt3A_618 : i32 to vector<16xi32>
        %lt3A_620 = arith.cmpi slt, %sub3A_614, %lt3A_619 : vector<16xi32>
        %and3A_621 = arith.andi %ge3A_617, %lt3A_620 : vector<16xi1>
        %and3A_622 = arith.constant 63 : i32
        %and3A_623 = vector.broadcast %and3A_622 : i32 to vector<16xi32>
        %and3A_624 = arith.andi %get3A_612, %and3A_623 : vector<16xi32>
        %add3A_625 = arith.constant 5000 : i32
        %add3A_626 = vector.broadcast %add3A_625 : i32 to vector<16xi32>
        %add3A_627 = arith.addi %add3A_626, %and3A_624 : vector<16xi32>
        %select_n3A_628 = arith.select %and3A_621, %sub3A_614, %add3A_627 : vector<16xi1>, vector<16xi32>
        %swap3A_629 = arith.constant 0 : index
        %swap3A_630 = tpu.vector_load %arg18[%swap3A_629] {strides = array<i32>} : memref<80xi32, #tpu.memory_space<vmem>>, vector<16xi32>,
        %swap3A_631 = vector.shape_cast %swap3A_630 : vector<16xi32> to vector<16xi32>
        %swap3A_632 = vector.shape_cast %select_n3A_628 : vector<16xi32> to vector<16xi32>
        tpu.vector_store %arg18[%swap3A_629], %swap3A_632 {strides = array<i32>} : memref<80xi32, #tpu.memory_space<vmem>>, vector<16xi32>,
        %get3A_633 = arith.constant 16 : index
        %get3A_634 = tpu.vector_load %arg13[%get3A_633] {strides = array<i32>} : memref<80xi32, #tpu.memory_space<vmem>>, vector<16xi32>,
        %get3A_635 = vector.shape_cast %get3A_634 : vector<16xi32> to vector<16xi32>
        %sub3A_636 = vector.broadcast %mul3A_0 : i32 to vector<16xi32>
        %sub3A_637 = arith.subi %get3A_635, %sub3A_636 : vector<16xi32>
        %ge3A_638 = arith.constant 0 : i32
        %ge3A_639 = vector.broadcast %ge3A_638 : i32 to vector<16xi32>
        %ge3A_640 = arith.cmpi sge, %sub3A_637, %ge3A_639 : vector<16xi32>
        %lt3A_641 = arith.constant 5000 : i32
        %lt3A_642 = vector.broadcast %lt3A_641 : i32 to vector<16xi32>
        %lt3A_643 = arith.cmpi slt, %sub3A_637, %lt3A_642 : vector<16xi32>
        %and3A_644 = arith.andi %ge3A_640, %lt3A_643 : vector<16xi1>
        %and3A_645 = arith.constant 63 : i32
        %and3A_646 = vector.broadcast %and3A_645 : i32 to vector<16xi32>
        %and3A_647 = arith.andi %get3A_635, %and3A_646 : vector<16xi32>
        %add3A_648 = arith.constant 5000 : i32
        %add3A_649 = vector.broadcast %add3A_648 : i32 to vector<16xi32>
        %add3A_650 = arith.addi %add3A_649, %and3A_647 : vector<16xi32>
        %select_n3A_651 = arith.select %and3A_644, %sub3A_637, %add3A_650 : vector<16xi1>, vector<16xi32>
        %swap3A_652 = arith.constant 16 : index
        %swap3A_653 = tpu.vector_load %arg18[%swap3A_652] {strides = array<i32>} : memref<80xi32, #tpu.memory_space<vmem>>, vector<16xi32>,
        %swap3A_654 = vector.shape_cast %swap3A_653 : vector<16xi32> to vector<16xi32>
        %swap3A_655 = vector.shape_cast %select_n3A_651 : vector<16xi32> to vector<16xi32>
        tpu.vector_store %arg18[%swap3A_652], %swap3A_655 {strides = array<i32>} : memref<80xi32, #tpu.memory_space<vmem>>, vector<16xi32>,
        %get3A_656 = arith.constant 32 : index
        %get3A_657 = tpu.vector_load %arg13[%get3A_656] {strides = array<i32>} : memref<80xi32, #tpu.memory_space<vmem>>, vector<16xi32>,
        %get3A_658 = vector.shape_cast %get3A_657 : vector<16xi32> to vector<16xi32>
        %sub3A_659 = vector.broadcast %mul3A_0 : i32 to vector<16xi32>
        %sub3A_660 = arith.subi %get3A_658, %sub3A_659 : vector<16xi32>
        %ge3A_661 = arith.constant 0 : i32
        %ge3A_662 = vector.broadcast %ge3A_661 : i32 to vector<16xi32>
        %ge3A_663 = arith.cmpi sge, %sub3A_660, %ge3A_662 : vector<16xi32>
        %lt3A_664 = arith.constant 5000 : i32
        %lt3A_665 = vector.broadcast %lt3A_664 : i32 to vector<16xi32>
        %lt3A_666 = arith.cmpi slt, %sub3A_660, %lt3A_665 : vector<16xi32>
        %and3A_667 = arith.andi %ge3A_663, %lt3A_666 : vector<16xi1>
        %and3A_668 = arith.constant 63 : i32
        %and3A_669 = vector.broadcast %and3A_668 : i32 to vector<16xi32>
        %and3A_670 = arith.andi %get3A_658, %and3A_669 : vector<16xi32>
        %add3A_671 = arith.constant 5000 : i32
        %add3A_672 = vector.broadcast %add3A_671 : i32 to vector<16xi32>
        %add3A_673 = arith.addi %add3A_672, %and3A_670 : vector<16xi32>
        %select_n3A_674 = arith.select %and3A_667, %sub3A_660, %add3A_673 : vector<16xi1>, vector<16xi32>
        %swap3A_675 = arith.constant 32 : index
        %swap3A_676 = tpu.vector_load %arg18[%swap3A_675] {strides = array<i32>} : memref<80xi32, #tpu.memory_space<vmem>>, vector<16xi32>,
        %swap3A_677 = vector.shape_cast %swap3A_676 : vector<16xi32> to vector<16xi32>
        %swap3A_678 = vector.shape_cast %select_n3A_674 : vector<16xi32> to vector<16xi32>
        tpu.vector_store %arg18[%swap3A_675], %swap3A_678 {strides = array<i32>} : memref<80xi32, #tpu.memory_space<vmem>>, vector<16xi32>,
        %get3A_679 = arith.constant 48 : index
        %get3A_680 = tpu.vector_load %arg13[%get3A_679] {strides = array<i32>} : memref<80xi32, #tpu.memory_space<vmem>>, vector<16xi32>,
        %get3A_681 = vector.shape_cast %get3A_680 : vector<16xi32> to vector<16xi32>
        %sub3A_682 = vector.broadcast %mul3A_0 : i32 to vector<16xi32>
        %sub3A_683 = arith.subi %get3A_681, %sub3A_682 : vector<16xi32>
        %ge3A_684 = arith.constant 0 : i32
        %ge3A_685 = vector.broadcast %ge3A_684 : i32 to vector<16xi32>
        %ge3A_686 = arith.cmpi sge, %sub3A_683, %ge3A_685 : vector<16xi32>
        %lt3A_687 = arith.constant 5000 : i32
        %lt3A_688 = vector.broadcast %lt3A_687 : i32 to vector<16xi32>
        %lt3A_689 = arith.cmpi slt, %sub3A_683, %lt3A_688 : vector<16xi32>
        %and3A_690 = arith.andi %ge3A_686, %lt3A_689 : vector<16xi1>
        %and3A_691 = arith.constant 63 : i32
        %and3A_692 = vector.broadcast %and3A_691 : i32 to vector<16xi32>
        %and3A_693 = arith.andi %get3A_681, %and3A_692 : vector<16xi32>
        %add3A_694 = arith.constant 5000 : i32
        %add3A_695 = vector.broadcast %add3A_694 : i32 to vector<16xi32>
        %add3A_696 = arith.addi %add3A_695, %and3A_693 : vector<16xi32>
        %select_n3A_697 = arith.select %and3A_690, %sub3A_683, %add3A_696 : vector<16xi1>, vector<16xi32>
        %swap3A_698 = arith.constant 48 : index
        %swap3A_699 = tpu.vector_load %arg18[%swap3A_698] {strides = array<i32>} : memref<80xi32, #tpu.memory_space<vmem>>, vector<16xi32>,
        %swap3A_700 = vector.shape_cast %swap3A_699 : vector<16xi32> to vector<16xi32>
        %swap3A_701 = vector.shape_cast %select_n3A_697 : vector<16xi32> to vector<16xi32>
        tpu.vector_store %arg18[%swap3A_698], %swap3A_701 {strides = array<i32>} : memref<80xi32, #tpu.memory_space<vmem>>, vector<16xi32>,
        %get3A_702 = arith.constant 64 : index
        %get3A_703 = tpu.vector_load %arg13[%get3A_702] {strides = array<i32>} : memref<80xi32, #tpu.memory_space<vmem>>, vector<16xi32>,
        %get3A_704 = vector.shape_cast %get3A_703 : vector<16xi32> to vector<16xi32>
        %sub3A_705 = vector.broadcast %mul3A_0 : i32 to vector<16xi32>
        %sub3A_706 = arith.subi %get3A_704, %sub3A_705 : vector<16xi32>
        %ge3A_707 = arith.constant 0 : i32
        %ge3A_708 = vector.broadcast %ge3A_707 : i32 to vector<16xi32>
        %ge3A_709 = arith.cmpi sge, %sub3A_706, %ge3A_708 : vector<16xi32>
        %lt3A_710 = arith.constant 5000 : i32
        %lt3A_711 = vector.broadcast %lt3A_710 : i32 to vector<16xi32>
        %lt3A_712 = arith.cmpi slt, %sub3A_706, %lt3A_711 : vector<16xi32>
        %and3A_713 = arith.andi %ge3A_709, %lt3A_712 : vector<16xi1>
        %and3A_714 = arith.constant 63 : i32
        %and3A_715 = vector.broadcast %and3A_714 : i32 to vector<16xi32>
        %and3A_716 = arith.andi %get3A_704, %and3A_715 : vector<16xi32>
        %add3A_717 = arith.constant 5000 : i32
        %add3A_718 = vector.broadcast %add3A_717 : i32 to vector<16xi32>
        %add3A_719 = arith.addi %add3A_718, %and3A_716 : vector<16xi32>
        %select_n3A_720 = arith.select %and3A_713, %sub3A_706, %add3A_719 : vector<16xi1>, vector<16xi32>
        %swap3A_721 = arith.constant 64 : index
        %swap3A_722 = tpu.vector_load %arg18[%swap3A_721] {strides = array<i32>} : memref<80xi32, #tpu.memory_space<vmem>>, vector<16xi32>,
        %swap3A_723 = vector.shape_cast %swap3A_722 : vector<16xi32> to vector<16xi32>
        %swap3A_724 = vector.shape_cast %select_n3A_720 : vector<16xi32> to vector<16xi32>
        tpu.vector_store %arg18[%swap3A_721], %swap3A_724 {strides = array<i32>} : memref<80xi32, #tpu.memory_space<vmem>>, vector<16xi32>,
      } else {
      }
      %dma_wait3A_588 = arith.constant 0 : i32
      %dma_wait3A_589 = arith.constant 0 : i32
      %dma_wait3A_590 = tpu.memref_slice %arg2[%dma_wait3A_588, %dma_wait3A_589] : memref<10000x128xf32, #tpu.memory_space<hbm>> -> memref<10000x128xf32, #tpu.memory_space<hbm>>
      tpu.wait_indirect_dma semaphore(%arg42 : memref<!tpu.dma_semaphore, #tpu.memory_space<semaphore_mem>>) src(%dma_wait3A_590 : memref<10000x128xf32, #tpu.memory_space<hbm>>) dst(%arg25 : memref<80x128xf32, #tpu.memory_space<vmem>>)
      %dma_start3A_591 = arith.constant 0 : i32
      %dma_start3A_592 = arith.constant 0 : i32
      %dma_start3A_593 = tpu.memref_slice %arg27[%dma_start3A_591, %dma_start3A_592] : memref<5064x128xf32, #tpu.memory_space<vmem_shared>> -> memref<5064x128xf32, #tpu.memory_space<vmem_shared>>
      tpu.enqueue_indirect_dma source(%arg25 : memref<80x128xf32, #tpu.memory_space<vmem>>) target(%dma_start3A_593 : memref<5064x128xf32, #tpu.memory_space<vmem_shared>>) offsets(%arg20 : memref<80xi32, #tpu.memory_space<vmem>>) semaphore(%arg47 : memref<!tpu.dma_semaphore, #tpu.memory_space<semaphore_mem>>) {add = true}
    }
    %scan3A_436 = arith.constant 50 : i32
    %dma_wait3A_437 = arith.constant 0 : i32
    %dma_wait3A_438 = arith.constant 0 : i32
    %dma_wait3A_439 = tpu.memref_slice %arg27[%dma_wait3A_437, %dma_wait3A_438] : memref<5064x128xf32, #tpu.memory_space<vmem_shared>> -> memref<5064x128xf32, #tpu.memory_space<vmem_shared>>
    tpu.wait_indirect_dma semaphore(%arg43 : memref<!tpu.dma_semaphore, #tpu.memory_space<semaphore_mem>>) src(%arg21 : memref<80x128xf32, #tpu.memory_space<vmem>>) dst(%dma_wait3A_439 : memref<5064x128xf32, #tpu.memory_space<vmem_shared>>)
    %dma_wait3A_440 = arith.constant 0 : i32
    %dma_wait3A_441 = arith.constant 0 : i32
    %dma_wait3A_442 = tpu.memref_slice %arg27[%dma_wait3A_440, %dma_wait3A_441] : memref<5064x128xf32, #tpu.memory_space<vmem_shared>> -> memref<5064x128xf32, #tpu.memory_space<vmem_shared>>
    tpu.wait_indirect_dma semaphore(%arg44 : memref<!tpu.dma_semaphore, #tpu.memory_space<semaphore_mem>>) src(%arg22 : memref<80x128xf32, #tpu.memory_space<vmem>>) dst(%dma_wait3A_442 : memref<5064x128xf32, #tpu.memory_space<vmem_shared>>)
    %dma_wait3A_443 = arith.constant 0 : i32
    %dma_wait3A_444 = arith.constant 0 : i32
    %dma_wait3A_445 = tpu.memref_slice %arg27[%dma_wait3A_443, %dma_wait3A_444] : memref<5064x128xf32, #tpu.memory_space<vmem_shared>> -> memref<5064x128xf32, #tpu.memory_space<vmem_shared>>
    tpu.wait_indirect_dma semaphore(%arg45 : memref<!tpu.dma_semaphore, #tpu.memory_space<semaphore_mem>>) src(%arg23 : memref<80x128xf32, #tpu.memory_space<vmem>>) dst(%dma_wait3A_445 : memref<5064x128xf32, #tpu.memory_space<vmem_shared>>)
    %dma_wait3A_446 = arith.constant 0 : i32
    %dma_wait3A_447 = arith.constant 0 : i32
    %dma_wait3A_448 = tpu.memref_slice %arg27[%dma_wait3A_446, %dma_wait3A_447] : memref<5064x128xf32, #tpu.memory_space<vmem_shared>> -> memref<5064x128xf32, #tpu.memory_space<vmem_shared>>
    tpu.wait_indirect_dma semaphore(%arg46 : memref<!tpu.dma_semaphore, #tpu.memory_space<semaphore_mem>>) src(%arg24 : memref<80x128xf32, #tpu.memory_space<vmem>>) dst(%dma_wait3A_448 : memref<5064x128xf32, #tpu.memory_space<vmem_shared>>)
    %dma_wait3A_449 = arith.constant 0 : i32
    %dma_wait3A_450 = arith.constant 0 : i32
    %dma_wait3A_451 = tpu.memref_slice %arg27[%dma_wait3A_449, %dma_wait3A_450] : memref<5064x128xf32, #tpu.memory_space<vmem_shared>> -> memref<5064x128xf32, #tpu.memory_space<vmem_shared>>
    tpu.wait_indirect_dma semaphore(%arg47 : memref<!tpu.dma_semaphore, #tpu.memory_space<semaphore_mem>>) src(%arg25 : memref<80x128xf32, #tpu.memory_space<vmem>>) dst(%dma_wait3A_451 : memref<5064x128xf32, #tpu.memory_space<vmem_shared>>)
    %barrier3A_452 = arith.constant 0 : index
    tpu.barrier barrier_id(%barrier3A_452)
    %add3A_453 = arith.constant 0 : i32
    %add3A_454 = arith.addi %mul3A_9, %add3A_453 : i32
    "tpu.region"() ({
      %run_scoped3A = tpu.sem_alloc : memref<!tpu.dma_semaphore, #tpu.memory_space<semaphore_mem>>
      %dma_start3A_473 = arith.constant 0 : i32
      %dma_start3A_474 = tpu.memref_slice %arg27[%add3A_454, %dma_start3A_473] : memref<5064x128xf32, #tpu.memory_space<vmem_shared>> -> memref<104x128xf32, #tpu.memory_space<vmem_shared>>
      %dma_start3A_475 = arith.constant 0 : i32
      %dma_start3A_476 = tpu.memref_slice %arg27[%add3A_454, %dma_start3A_475] : memref<5064x128xf32, #tpu.memory_space<vmem_shared>> -> memref<104x128xf32, #tpu.memory_space<vmem_shared>>
      tpu.enqueue_dma source(%dma_start3A_476 : memref<104x128xf32, #tpu.memory_space<vmem_shared>>) target(%arg26 : memref<104x128xf32, #tpu.memory_space<vmem>>) target_semaphore(%run_scoped3A : memref<!tpu.dma_semaphore, #tpu.memory_space<semaphore_mem>>)
      %dma_wait3A_477 = arith.constant 0 : i32
      %dma_wait3A_478 = tpu.memref_slice %arg27[%add3A_454, %dma_wait3A_477] : memref<5064x128xf32, #tpu.memory_space<vmem_shared>> -> memref<104x128xf32, #tpu.memory_space<vmem_shared>>
      %dma_wait3A_479 = arith.constant 0 : i32
      %dma_wait3A_480 = tpu.memref_slice %arg27[%add3A_454, %dma_wait3A_479] : memref<5064x128xf32, #tpu.memory_space<vmem_shared>> -> memref<104x128xf32, #tpu.memory_space<vmem_shared>>
      tpu.wait_dma2 semaphore(%run_scoped3A : memref<!tpu.dma_semaphore, #tpu.memory_space<semaphore_mem>>) src(%dma_wait3A_480 : memref<104x128xf32, #tpu.memory_space<vmem_shared>>) dst(%arg26 : memref<104x128xf32, #tpu.memory_space<vmem>>)
      tpu.yield
    }) : () -> ()
    %add3A_455 = arith.addi %mul3A_0, %mul3A_9 : i32
    %add3A_456 = arith.constant 0 : i32
    %add3A_457 = arith.addi %add3A_455, %add3A_456 : i32
    "tpu.region"() ({
      %run_scoped3A = tpu.sem_alloc : memref<!tpu.dma_semaphore, #tpu.memory_space<semaphore_mem>>
      %dma_start3A_473 = arith.constant 0 : i32
      %dma_start3A_474 = tpu.memref_slice %arg5[%add3A_457, %dma_start3A_473] : memref<10000x128xf32, #tpu.memory_space<hbm>> -> memref<104x128xf32, #tpu.memory_space<hbm>>
      %dma_start3A_475 = arith.constant 0 : i32
      %dma_start3A_476 = tpu.memref_slice %arg5[%add3A_457, %dma_start3A_475] : memref<10000x128xf32, #tpu.memory_space<hbm>> -> memref<104x128xf32, #tpu.memory_space<hbm>>
      tpu.enqueue_dma source(%arg26 : memref<104x128xf32, #tpu.memory_space<vmem>>) target(%dma_start3A_476 : memref<104x128xf32, #tpu.memory_space<hbm>>) target_semaphore(%run_scoped3A : memref<!tpu.dma_semaphore, #tpu.memory_space<semaphore_mem>>)
      %dma_wait3A_477 = arith.constant 0 : i32
      %dma_wait3A_478 = tpu.memref_slice %arg5[%add3A_457, %dma_wait3A_477] : memref<10000x128xf32, #tpu.memory_space<hbm>> -> memref<104x128xf32, #tpu.memory_space<hbm>>
      %dma_wait3A_479 = arith.constant 0 : i32
      %dma_wait3A_480 = tpu.memref_slice %arg5[%add3A_457, %dma_wait3A_479] : memref<10000x128xf32, #tpu.memory_space<hbm>> -> memref<104x128xf32, #tpu.memory_space<hbm>>
      tpu.wait_dma2 semaphore(%run_scoped3A : memref<!tpu.dma_semaphore, #tpu.memory_space<semaphore_mem>>) src(%arg26 : memref<104x128xf32, #tpu.memory_space<vmem>>) dst(%dma_wait3A_480 : memref<104x128xf32, #tpu.memory_space<hbm>>)
      tpu.yield
    }) : () -> ()
    %add3A_458 = arith.constant 104 : i32
    %add3A_459 = arith.addi %mul3A_9, %add3A_458 : i32
    "tpu.region"() ({
      %run_scoped3A = tpu.sem_alloc : memref<!tpu.dma_semaphore, #tpu.memory_space<semaphore_mem>>
      %dma_start3A_473 = arith.constant 0 : i32
      %dma_start3A_474 = tpu.memref_slice %arg27[%add3A_459, %dma_start3A_473] : memref<5064x128xf32, #tpu.memory_space<vmem_shared>> -> memref<104x128xf32, #tpu.memory_space<vmem_shared>>
      %dma_start3A_475 = arith.constant 0 : i32
      %dma_start3A_476 = tpu.memref_slice %arg27[%add3A_459, %dma_start3A_475] : memref<5064x128xf32, #tpu.memory_space<vmem_shared>> -> memref<104x128xf32, #tpu.memory_space<vmem_shared>>
      tpu.enqueue_dma source(%dma_start3A_476 : memref<104x128xf32, #tpu.memory_space<vmem_shared>>) target(%arg26 : memref<104x128xf32, #tpu.memory_space<vmem>>) target_semaphore(%run_scoped3A : memref<!tpu.dma_semaphore, #tpu.memory_space<semaphore_mem>>)
      %dma_wait3A_477 = arith.constant 0 : i32
      %dma_wait3A_478 = tpu.memref_slice %arg27[%add3A_459, %dma_wait3A_477] : memref<5064x128xf32, #tpu.memory_space<vmem_shared>> -> memref<104x128xf32, #tpu.memory_space<vmem_shared>>
      %dma_wait3A_479 = arith.constant 0 : i32
      %dma_wait3A_480 = tpu.memref_slice %arg27[%add3A_459, %dma_wait3A_479] : memref<5064x128xf32, #tpu.memory_space<vmem_shared>> -> memref<104x128xf32, #tpu.memory_space<vmem_shared>>
      tpu.wait_dma2 semaphore(%run_scoped3A : memref<!tpu.dma_semaphore, #tpu.memory_space<semaphore_mem>>) src(%dma_wait3A_480 : memref<104x128xf32, #tpu.memory_space<vmem_shared>>) dst(%arg26 : memref<104x128xf32, #tpu.memory_space<vmem>>)
      tpu.yield
    }) : () -> ()
    %add3A_460 = arith.addi %mul3A_0, %mul3A_9 : i32
    %add3A_461 = arith.constant 104 : i32
    %add3A_462 = arith.addi %add3A_460, %add3A_461 : i32
    "tpu.region"() ({
      %run_scoped3A = tpu.sem_alloc : memref<!tpu.dma_semaphore, #tpu.memory_space<semaphore_mem>>
      %dma_start3A_473 = arith.constant 0 : i32
      %dma_start3A_474 = tpu.memref_slice %arg5[%add3A_462, %dma_start3A_473] : memref<10000x128xf32, #tpu.memory_space<hbm>> -> memref<104x128xf32, #tpu.memory_space<hbm>>
      %dma_start3A_475 = arith.constant 0 : i32
      %dma_start3A_476 = tpu.memref_slice %arg5[%add3A_462, %dma_start3A_475] : memref<10000x128xf32, #tpu.memory_space<hbm>> -> memref<104x128xf32, #tpu.memory_space<hbm>>
      tpu.enqueue_dma source(%arg26 : memref<104x128xf32, #tpu.memory_space<vmem>>) target(%dma_start3A_476 : memref<104x128xf32, #tpu.memory_space<hbm>>) target_semaphore(%run_scoped3A : memref<!tpu.dma_semaphore, #tpu.memory_space<semaphore_mem>>)
      %dma_wait3A_477 = arith.constant 0 : i32
      %dma_wait3A_478 = tpu.memref_slice %arg5[%add3A_462, %dma_wait3A_477] : memref<10000x128xf32, #tpu.memory_space<hbm>> -> memref<104x128xf32, #tpu.memory_space<hbm>>
      %dma_wait3A_479 = arith.constant 0 : i32
      %dma_wait3A_480 = tpu.memref_slice %arg5[%add3A_462, %dma_wait3A_479] : memref<10000x128xf32, #tpu.memory_space<hbm>> -> memref<104x128xf32, #tpu.memory_space<hbm>>
      tpu.wait_dma2 semaphore(%run_scoped3A : memref<!tpu.dma_semaphore, #tpu.memory_space<semaphore_mem>>) src(%arg26 : memref<104x128xf32, #tpu.memory_space<vmem>>) dst(%dma_wait3A_480 : memref<104x128xf32, #tpu.memory_space<hbm>>)
      tpu.yield
    }) : () -> ()
    %add3A_463 = arith.constant 208 : i32
    %add3A_464 = arith.addi %mul3A_9, %add3A_463 : i32
    "tpu.region"() ({
      %run_scoped3A = tpu.sem_alloc : memref<!tpu.dma_semaphore, #tpu.memory_space<semaphore_mem>>
      %dma_start3A_473 = arith.constant 0 : i32
      %dma_start3A_474 = tpu.memref_slice %arg27[%add3A_464, %dma_start3A_473] : memref<5064x128xf32, #tpu.memory_space<vmem_shared>> -> memref<104x128xf32, #tpu.memory_space<vmem_shared>>
      %dma_start3A_475 = arith.constant 0 : i32
      %dma_start3A_476 = tpu.memref_slice %arg27[%add3A_464, %dma_start3A_475] : memref<5064x128xf32, #tpu.memory_space<vmem_shared>> -> memref<104x128xf32, #tpu.memory_space<vmem_shared>>
      tpu.enqueue_dma source(%dma_start3A_476 : memref<104x128xf32, #tpu.memory_space<vmem_shared>>) target(%arg26 : memref<104x128xf32, #tpu.memory_space<vmem>>) target_semaphore(%run_scoped3A : memref<!tpu.dma_semaphore, #tpu.memory_space<semaphore_mem>>)
      %dma_wait3A_477 = arith.constant 0 : i32
      %dma_wait3A_478 = tpu.memref_slice %arg27[%add3A_464, %dma_wait3A_477] : memref<5064x128xf32, #tpu.memory_space<vmem_shared>> -> memref<104x128xf32, #tpu.memory_space<vmem_shared>>
      %dma_wait3A_479 = arith.constant 0 : i32
      %dma_wait3A_480 = tpu.memref_slice %arg27[%add3A_464, %dma_wait3A_479] : memref<5064x128xf32, #tpu.memory_space<vmem_shared>> -> memref<104x128xf32, #tpu.memory_space<vmem_shared>>
      tpu.wait_dma2 semaphore(%run_scoped3A : memref<!tpu.dma_semaphore, #tpu.memory_space<semaphore_mem>>) src(%dma_wait3A_480 : memref<104x128xf32, #tpu.memory_space<vmem_shared>>) dst(%arg26 : memref<104x128xf32, #tpu.memory_space<vmem>>)
      tpu.yield
    }) : () -> ()
    %add3A_465 = arith.addi %mul3A_0, %mul3A_9 : i32
    %add3A_466 = arith.constant 208 : i32
    %add3A_467 = arith.addi %add3A_465, %add3A_466 : i32
    "tpu.region"() ({
      %run_scoped3A = tpu.sem_alloc : memref<!tpu.dma_semaphore, #tpu.memory_space<semaphore_mem>>
      %dma_start3A_473 = arith.constant 0 : i32
      %dma_start3A_474 = tpu.memref_slice %arg5[%add3A_467, %dma_start3A_473] : memref<10000x128xf32, #tpu.memory_space<hbm>> -> memref<104x128xf32, #tpu.memory_space<hbm>>
      %dma_start3A_475 = arith.constant 0 : i32
      %dma_start3A_476 = tpu.memref_slice %arg5[%add3A_467, %dma_start3A_475] : memref<10000x128xf32, #tpu.memory_space<hbm>> -> memref<104x128xf32, #tpu.memory_space<hbm>>
      tpu.enqueue_dma source(%arg26 : memref<104x128xf32, #tpu.memory_space<vmem>>) target(%dma_start3A_476 : memref<104x128xf32, #tpu.memory_space<hbm>>) target_semaphore(%run_scoped3A : memref<!tpu.dma_semaphore, #tpu.memory_space<semaphore_mem>>)
      %dma_wait3A_477 = arith.constant 0 : i32
      %dma_wait3A_478 = tpu.memref_slice %arg5[%add3A_467, %dma_wait3A_477] : memref<10000x128xf32, #tpu.memory_space<hbm>> -> memref<104x128xf32, #tpu.memory_space<hbm>>
      %dma_wait3A_479 = arith.constant 0 : i32
      %dma_wait3A_480 = tpu.memref_slice %arg5[%add3A_467, %dma_wait3A_479] : memref<10000x128xf32, #tpu.memory_space<hbm>> -> memref<104x128xf32, #tpu.memory_space<hbm>>
      tpu.wait_dma2 semaphore(%run_scoped3A : memref<!tpu.dma_semaphore, #tpu.memory_space<semaphore_mem>>) src(%arg26 : memref<104x128xf32, #tpu.memory_space<vmem>>) dst(%dma_wait3A_480 : memref<104x128xf32, #tpu.memory_space<hbm>>)
      tpu.yield
    }) : () -> ()
    %eq3A_468 = arith.constant 0 : i32
    %eq3A_469 = arith.cmpi eq, %arg1, %eq3A_468 : i32
    %convert_element_type3A_470 = arith.extui %eq3A_469 : i1 to i32
    %cond3A_471 = arith.constant 0 : i32
    %cond3A_472 = arith.cmpi ne, %convert_element_type3A_470, %cond3A_471 : i32
    scf.if %cond3A_472 {
      "tpu.region"() ({
        %run_scoped3A = tpu.sem_alloc : memref<!tpu.dma_semaphore, #tpu.memory_space<semaphore_mem>>
        %dma_start3A_475 = arith.constant 0 : i32
        %dma_start3A_476 = arith.constant 0 : i32
        %dma_start3A_477 = tpu.memref_slice %arg26[%dma_start3A_475, %dma_start3A_476] : memref<104x128xf32, #tpu.memory_space<vmem>> -> memref<8x128xf32, #tpu.memory_space<vmem>>
        %dma_start3A_478 = arith.constant 4992 : i32
        %dma_start3A_479 = arith.constant 0 : i32
        %dma_start3A_480 = tpu.memref_slice %arg27[%dma_start3A_478, %dma_start3A_479] : memref<5064x128xf32, #tpu.memory_space<vmem_shared>> -> memref<8x128xf32, #tpu.memory_space<vmem_shared>>
        %dma_start3A_481 = arith.constant 0 : i32
        %dma_start3A_482 = arith.constant 0 : i32
        %dma_start3A_483 = tpu.memref_slice %arg26[%dma_start3A_481, %dma_start3A_482] : memref<104x128xf32, #tpu.memory_space<vmem>> -> memref<8x128xf32, #tpu.memory_space<vmem>>
        %dma_start3A_484 = arith.constant 4992 : i32
        %dma_start3A_485 = arith.constant 0 : i32
        %dma_start3A_486 = tpu.memref_slice %arg27[%dma_start3A_484, %dma_start3A_485] : memref<5064x128xf32, #tpu.memory_space<vmem_shared>> -> memref<8x128xf32, #tpu.memory_space<vmem_shared>>
        tpu.enqueue_dma source(%dma_start3A_486 : memref<8x128xf32, #tpu.memory_space<vmem_shared>>) target(%dma_start3A_483 : memref<8x128xf32, #tpu.memory_space<vmem>>) target_semaphore(%run_scoped3A : memref<!tpu.dma_semaphore, #tpu.memory_space<semaphore_mem>>)
        %dma_wait3A_487 = arith.constant 0 : i32
        %dma_wait3A_488 = arith.constant 0 : i32
        %dma_wait3A_489 = tpu.memref_slice %arg26[%dma_wait3A_487, %dma_wait3A_488] : memref<104x128xf32, #tpu.memory_space<vmem>> -> memref<8x128xf32, #tpu.memory_space<vmem>>
        %dma_wait3A_490 = arith.constant 4992 : i32
        %dma_wait3A_491 = arith.constant 0 : i32
        %dma_wait3A_492 = tpu.memref_slice %arg27[%dma_wait3A_490, %dma_wait3A_491] : memref<5064x128xf32, #tpu.memory_space<vmem_shared>> -> memref<8x128xf32, #tpu.memory_space<vmem_shared>>
        %dma_wait3A_493 = arith.constant 0 : i32
        %dma_wait3A_494 = arith.constant 0 : i32
        %dma_wait3A_495 = tpu.memref_slice %arg26[%dma_wait3A_493, %dma_wait3A_494] : memref<104x128xf32, #tpu.memory_space<vmem>> -> memref<8x128xf32, #tpu.memory_space<vmem>>
        %dma_wait3A_496 = arith.constant 4992 : i32
        %dma_wait3A_497 = arith.constant 0 : i32
        %dma_wait3A_498 = tpu.memref_slice %arg27[%dma_wait3A_496, %dma_wait3A_497] : memref<5064x128xf32, #tpu.memory_space<vmem_shared>> -> memref<8x128xf32, #tpu.memory_space<vmem_shared>>
        tpu.wait_dma2 semaphore(%run_scoped3A : memref<!tpu.dma_semaphore, #tpu.memory_space<semaphore_mem>>) src(%dma_wait3A_498 : memref<8x128xf32, #tpu.memory_space<vmem_shared>>) dst(%dma_wait3A_495 : memref<8x128xf32, #tpu.memory_space<vmem>>)
        tpu.yield
      }) : () -> ()
      %add3A_473 = arith.constant 4992 : i32
      %add3A_474 = arith.addi %mul3A_0, %add3A_473 : i32
      "tpu.region"() ({
        %run_scoped3A = tpu.sem_alloc : memref<!tpu.dma_semaphore, #tpu.memory_space<semaphore_mem>>
        %dma_start3A_475 = arith.constant 0 : i32
        %dma_start3A_476 = arith.constant 0 : i32
        %dma_start3A_477 = tpu.memref_slice %arg26[%dma_start3A_475, %dma_start3A_476] : memref<104x128xf32, #tpu.memory_space<vmem>> -> memref<8x128xf32, #tpu.memory_space<vmem>>
        %dma_start3A_478 = arith.constant 0 : i32
        %dma_start3A_479 = tpu.memref_slice %arg5[%add3A_474, %dma_start3A_478] : memref<10000x128xf32, #tpu.memory_space<hbm>> -> memref<8x128xf32, #tpu.memory_space<hbm>>
        %dma_start3A_480 = arith.constant 0 : i32
        %dma_start3A_481 = tpu.memref_slice %arg5[%add3A_474, %dma_start3A_480] : memref<10000x128xf32, #tpu.memory_space<hbm>> -> memref<8x128xf32, #tpu.memory_space<hbm>>
        %dma_start3A_482 = arith.constant 0 : i32
        %dma_start3A_483 = arith.constant 0 : i32
        %dma_start3A_484 = tpu.memref_slice %arg26[%dma_start3A_482, %dma_start3A_483] : memref<104x128xf32, #tpu.memory_space<vmem>> -> memref<8x128xf32, #tpu.memory_space<vmem>>
        tpu.enqueue_dma source(%dma_start3A_484 : memref<8x128xf32, #tpu.memory_space<vmem>>) target(%dma_start3A_481 : memref<8x128xf32, #tpu.memory_space<hbm>>) target_semaphore(%run_scoped3A : memref<!tpu.dma_semaphore, #tpu.memory_space<semaphore_mem>>)
        %dma_wait3A_485 = arith.constant 0 : i32
        %dma_wait3A_486 = arith.constant 0 : i32
        %dma_wait3A_487 = tpu.memref_slice %arg26[%dma_wait3A_485, %dma_wait3A_486] : memref<104x128xf32, #tpu.memory_space<vmem>> -> memref<8x128xf32, #tpu.memory_space<vmem>>
        %dma_wait3A_488 = arith.constant 0 : i32
        %dma_wait3A_489 = tpu.memref_slice %arg5[%add3A_474, %dma_wait3A_488] : memref<10000x128xf32, #tpu.memory_space<hbm>> -> memref<8x128xf32, #tpu.memory_space<hbm>>
        %dma_wait3A_490 = arith.constant 0 : i32
        %dma_wait3A_491 = tpu.memref_slice %arg5[%add3A_474, %dma_wait3A_490] : memref<10000x128xf32, #tpu.memory_space<hbm>> -> memref<8x128xf32, #tpu.memory_space<hbm>>
        %dma_wait3A_492 = arith.constant 0 : i32
        %dma_wait3A_493 = arith.constant 0 : i32
        %dma_wait3A_494 = tpu.memref_slice %arg26[%dma_wait3A_492, %dma_wait3A_493] : memref<104x128xf32, #tpu.memory_space<vmem>> -> memref<8x128xf32, #tpu.memory_space<vmem>>
        tpu.wait_dma2 semaphore(%run_scoped3A : memref<!tpu.dma_semaphore, #tpu.memory_space<semaphore_mem>>) src(%dma_wait3A_494 : memref<8x128xf32, #tpu.memory_space<vmem>>) dst(%dma_wait3A_491 : memref<8x128xf32, #tpu.memory_space<hbm>>)
        tpu.yield
      }) : () -> ()
    } else {
    }
    return
  }
}

module attributes {stable_mosaic.version = 14 : i64} {
  func.func @body(%arg0: memref<10000x128xf32, #tpu.memory_space<vmem>>, %arg1: memref<10000x128xf32, #tpu.memory_space<vmem>>, %arg2: memref<128x128xf32, #tpu.memory_space<vmem>>, %arg3: memref<128x128xf32, #tpu.memory_space<vmem>>, %arg4: memref<1x128xf32, #tpu.memory_space<vmem>>, %arg5: memref<1x128xf32, #tpu.memory_space<vmem>>, %arg6: memref<1x128xf32, #tpu.memory_space<vmem>>, %arg7: memref<10000x128xf32, #tpu.memory_space<vmem>>) attributes {dimension_semantics = [], scalar_prefetch = 0 : i64, scratch_operands = 0 : i64, tpu.core_type = #tpu.core_type<tc>} {
    %get3A = arith.constant 0 : index
    %get3A_0 = arith.constant 0 : index
    %get3A_1 = vector.load %arg0[%get3A, %get3A_0] : memref<10000x128xf32, #tpu.memory_space<vmem>>, vector<10000x128xf32>
    %get3A_2 = arith.constant 0 : index
    %get3A_3 = arith.constant 0 : index
    %get3A_4 = vector.load %arg1[%get3A_2, %get3A_3] : memref<10000x128xf32, #tpu.memory_space<vmem>>, vector<10000x128xf32>
    %get3A_5 = arith.constant 0 : index
    %get3A_6 = arith.constant 0 : index
    %get3A_7 = vector.load %arg2[%get3A_5, %get3A_6] : memref<128x128xf32, #tpu.memory_space<vmem>>, vector<128x128xf32>
    %dot_general3A = arith.constant dense<0.000000e+00> : vector<10000x128xf32>
    %dot_general3A_8 = tpu.matmul %get3A_1, %get3A_7, %dot_general3A {dimension_numbers = #tpu.dot_dimension_numbers<[1], [1], [0], [0], [0, 0, 1, 0], [], []>, transpose_lhs_hint = false} : vector<10000x128xf32>, vector<128x128xf32>, vector<10000x128xf32> -> vector<10000x128xf32>
    %get3A_9 = arith.constant 0 : index
    %get3A_10 = arith.constant 0 : index
    %get3A_11 = vector.load %arg3[%get3A_9, %get3A_10] : memref<128x128xf32, #tpu.memory_space<vmem>>, vector<128x128xf32>
    %dot_general3A_12 = arith.constant dense<0.000000e+00> : vector<10000x128xf32>
    %dot_general3A_13 = tpu.matmul %get3A_4, %get3A_11, %dot_general3A_12 {dimension_numbers = #tpu.dot_dimension_numbers<[1], [1], [0], [0], [0, 0, 1, 0], [], []>, transpose_lhs_hint = false} : vector<10000x128xf32>, vector<128x128xf32>, vector<10000x128xf32> -> vector<10000x128xf32>
    %add3A = arith.addf %dot_general3A_8, %dot_general3A_13 : vector<10000x128xf32>
    %get3A_14 = arith.constant 0 : index
    %get3A_15 = arith.constant 0 : index
    %get3A_16 = vector.load %arg4[%get3A_14, %get3A_15] : memref<1x128xf32, #tpu.memory_space<vmem>>, vector<1x128xf32>
    %add3A_17 = vector.broadcast %get3A_16 : vector<1x128xf32> to vector<10000x128xf32>
    %add3A_18 = arith.addf %add3A, %add3A_17 : vector<10000x128xf32>
    %max3A = arith.constant 0.000000e+00 : f32
    %max3A_19 = vector.broadcast %max3A : f32 to vector<10000x128xf32>
    %max3A_20 = arith.maximumf %add3A_18, %max3A_19 : vector<10000x128xf32>
    %reduce_sum3A = arith.constant dense<0.000000e+00> : vector<128xf32>
    %reduce_sum3A_21 = vector.multi_reduction <add>, %max3A_20, %reduce_sum3A [0] : vector<10000x128xf32> to vector<128xf32>
    %broadcast_in_dim3A = vector.shape_cast %reduce_sum3A_21 : vector<128xf32> to vector<1x128xf32>
    %mul3A = arith.constant 9.99999974E-5 : f32
    %mul3A_22 = vector.broadcast %mul3A : f32 to vector<1x128xf32>
    %mul3A_23 = arith.mulf %broadcast_in_dim3A, %mul3A_22 : vector<1x128xf32>
    %mul3A_24 = arith.mulf %max3A_20, %max3A_20 : vector<10000x128xf32>
    %reduce_sum3A_25 = arith.constant dense<0.000000e+00> : vector<128xf32>
    %reduce_sum3A_26 = vector.multi_reduction <add>, %mul3A_24, %reduce_sum3A_25 [0] : vector<10000x128xf32> to vector<128xf32>
    %broadcast_in_dim3A_27 = vector.shape_cast %reduce_sum3A_26 : vector<128xf32> to vector<1x128xf32>
    %mul3A_28 = arith.constant 9.99999974E-5 : f32
    %mul3A_29 = vector.broadcast %mul3A_28 : f32 to vector<1x128xf32>
    %mul3A_30 = arith.mulf %broadcast_in_dim3A_27, %mul3A_29 : vector<1x128xf32>
    %mul3A_31 = arith.mulf %mul3A_23, %mul3A_23 : vector<1x128xf32>
    %sub3A = arith.subf %mul3A_30, %mul3A_31 : vector<1x128xf32>
    %get3A_32 = arith.constant 0 : index
    %get3A_33 = arith.constant 0 : index
    %get3A_34 = vector.load %arg5[%get3A_32, %get3A_33] : memref<1x128xf32, #tpu.memory_space<vmem>>, vector<1x128xf32>
    %add3A_35 = arith.constant 9.99999974E-6 : f32
    %add3A_36 = vector.broadcast %add3A_35 : f32 to vector<1x128xf32>
    %add3A_37 = arith.addf %sub3A, %add3A_36 : vector<1x128xf32>
    %sqrt3A = math.sqrt %add3A_37 : vector<1x128xf32>
    %div3A = arith.divf %get3A_34, %sqrt3A : vector<1x128xf32>
    %get3A_38 = arith.constant 0 : index
    %get3A_39 = arith.constant 0 : index
    %get3A_40 = vector.load %arg6[%get3A_38, %get3A_39] : memref<1x128xf32, #tpu.memory_space<vmem>>, vector<1x128xf32>
    %mul3A_41 = arith.mulf %mul3A_23, %div3A : vector<1x128xf32>
    %sub3A_42 = arith.subf %get3A_40, %mul3A_41 : vector<1x128xf32>
    %mul3A_43 = vector.broadcast %div3A : vector<1x128xf32> to vector<10000x128xf32>
    %mul3A_44 = arith.mulf %max3A_20, %mul3A_43 : vector<10000x128xf32>
    %add3A_45 = vector.broadcast %sub3A_42 : vector<1x128xf32> to vector<10000x128xf32>
    %add3A_46 = arith.addf %mul3A_44, %add3A_45 : vector<10000x128xf32>
    %mul3A_47 = arith.mulf %add3A_46, %add3A_46 : vector<10000x128xf32>
    %reduce_sum3A_48 = arith.constant dense<0.000000e+00> : vector<10000xf32>
    %reduce_sum3A_49 = vector.multi_reduction <add>, %mul3A_47, %reduce_sum3A_48 [1] : vector<10000x128xf32> to vector<10000xf32>
    %broadcast_in_dim3A_50 = vector.shape_cast %reduce_sum3A_49 : vector<10000xf32> to vector<10000x1xf32>
    %sqrt3A_51 = math.sqrt %broadcast_in_dim3A_50 : vector<10000x1xf32>
    %add3A_52 = arith.constant 9.99999997E-7 : f32
    %add3A_53 = vector.broadcast %add3A_52 : f32 to vector<10000x1xf32>
    %add3A_54 = arith.addf %sqrt3A_51, %add3A_53 : vector<10000x1xf32>
    %div3A_55 = vector.broadcast %add3A_54 : vector<10000x1xf32> to vector<10000x128xf32>
    %div3A_56 = arith.divf %add3A_46, %div3A_55 : vector<10000x128xf32>
    %swap3A = arith.constant 0 : index
    %swap3A_57 = arith.constant 0 : index
    %swap3A_58 = vector.load %arg7[%swap3A, %swap3A_57] : memref<10000x128xf32, #tpu.memory_space<vmem>>, vector<10000x128xf32>
    tpu.vector_store %arg7[%swap3A, %swap3A_57], %div3A_56 {strides = array<i32>} : memref<10000x128xf32, #tpu.memory_space<vmem>>, vector<10000x128xf32>,
    return
  }
}

</mosaic_0001>

<sc_bundles>
// kernel: kernel.4.cloned.1.call-start
scs
__scs_entry_jumppad:
0x0: {  	(pc) =	sbr.rel $0x88, $3  }
0x1: {  	(tag) =	ssettag $0x0;
	lr =	simm.s32 $0x1  }
0x2: {  	[smem:$0x3F9B] =	sst lr;
	_ =	strace $0xD0000000  }
0x3: {  	_ = 	snop  }
0x4: {  	_ = 	snop  }
0x5: {  	_ = 	snop  }
0x6: {  	_ = 	snop  }
0x7: {  	_ = 	snop  }
__scs_overlays_trampoline_lowered:
0x8: {  	[smem:$0x3FAA] =	sst s0  }
0x9: {  	[smem:$0x3FAB] =	sst s1  }
0xa: {  	[smem:$0x3FAC] =	sst s2  }
0xb: {  	[smem:$0x3FAD] =	sst s3  }
0xc: {  	[smem:$0x3FAE] =	sst s4  }
0xd: {  	[smem:$0x3FAF] =	sst s5  }
0xe: {  	[smem:$0x3FB0] =	sst s6  }
0xf: {  	[smem:$0x3FB1] =	sst s7  }
0x10: {  	[smem:$0x3FB2] =	sst s8  }
0x11: {  	[smem:$0x3FB3] =	sst s9;
	s0 =	simm.s32 @!p0 $0x0  }
0x12: {  	s1 =	sld [smem:$0x3F99];
	s0 =	simm.s32 @p0 $0x1  }
0x13: {  	[smem:$0x3FB4] =	sst s0;
	s0 =	simm.s32 @!p1 $0x0  }
0x14: {  	s2 =	sld [smem:$0x3F98];
	s0 =	simm.s32 @p1 $0x1  }
0x15: {  	[smem:$0x3FB5] =	sst s0;
	s0 =	simm.s32 @!p2 $0x0  }
0x16: {  	s3 =	sld [smem:$0x3FDB];
	s0 =	simm.s32 @p2 $0x1  }
0x17: {  	s4 =	simm.s32 $0x1BF5;
	[smem:$0x3FB7] =	sst s0  }
0x18: {  	s0 =	sld [smem:$0x3F9A];
	_ =	swait.ge [sflag:s4], $0x0  }
0x19: {  	s7 =	sld [smem:$0x3F9B]  }
0x1a: {  	s8 =	sadd.s32 $0xFFFFE003, lr  }
0x1b: {  	s9 =	sadd.s32 $0xFFFFFEF7, lr;
	s5 =	simm.s32 $0xFFFFFFFF;
	p2 =	slt.u32 s8, $0xFFFFF086  }
0x1c: {  	p1 =	slt.u32 s9, $0xF7A;
	s5 =	simm.s32 @!p2 $0x0  }
0x1d: {  	s5 =	simm.s32 @p1 $0x1;
	p0 =	seq.s32 s7, s2  }
0x1e: {  	s7 =	smul.u32 @!p0 $0xF7A, s2;
	p2 =	seq.s32 @!p0 s5, $0x0  }
0x1f: {  	s9 =	smul.u32 $0xF7A, s1;
	s8 =	simm.s32 @!p0 $0x1BF5;
	p2 =	por !p2, p0  }
0x20: {  	[sflag:s8] =	ssyncset.s32 @!p0 $0xFFFFF086;
	s6 =	sadd.s32 @!p0 s3, s7;
	s7 =	simm.s32 @!p0 $0x108  }
0x21: {  	s3 =	sadd.s32 s3, s9;
	s6 =	sadd.s32 @!p0 $0x88, s6;
	s7 =	simm.s32 @p2 $0x1082  }
0x22: {  	[simem:s7], [sflag:s8] =	dma.local @!p0 [hbm:s6], $0xF7A  }
0x23: {  	s9 =	sor.u32 $0xD0000000, s2;
	s6 =	simm.s32 $0x108;
	_ =	swait.ge @!p0 [sflag:s8], $0x0  }
0x24: {  	s3 =	sadd.s32 $0x88, s3;
	s6 =	simm.s32 @!p1 $0x1082;
	[sflag:s4] =	ssyncset.s32 $0xFFFFF086  }
0x25: {  	[simem:s6], [sflag:s4] =	dma.local [hbm:s3], $0xF7A  }
0x26: {  	[smem:$0x3F9B] =	sst s1;
	(tag) =	ssettag s2;
	_ =	strace s9  }
0x27: {  	s1 =	sld [smem:$0x3FAB]  }
0x28: {  	s2 =	sld [smem:$0x3FAC]  }
0x29: {  	s4 =	sld [smem:$0x3FAE]  }
0x2a: {  	p0 =	seq.s32 s5, $0x0;
	s5 =	sld [smem:$0x3FAF]  }
0x2b: {  	s6 =	sld [smem:$0x3FB0]  }
0x2c: {  	s7 =	sld [smem:$0x3FB1]  }
0x2d: {  	s3 =	simm.s32 $0x108;
	s8 =	sld [smem:$0x3FB2]  }
0x2e: {  	s3 =	simm.s32 @!p0 $0x1082;
	s9 =	sld [smem:$0x3FB3]  }
0x2f: {  	lr =	sadd.s32 s0, s3;
	s0 =	sld [smem:$0x3FAA]  }
0x30: {  	s3 =	sld [smem:$0x3FAD]  }
0x31: {  	[smem:$0x3FB6] =	sst s10  }
0x32: {  	s10 =	sld [smem:$0x3FB4];
	_ =	sdelay $0x3  }
0x33: {  	p0 =	seq.s32 s10, $0x1;
	s10 =	sld [smem:$0x3FB6];
	_ =	sdelay $0x3  }
0x34: {  	[smem:$0x3FB6] =	sst s10  }
0x35: {  	s10 =	sld [smem:$0x3FB5];
	_ =	sdelay $0x3  }
0x36: {  	p1 =	seq.s32 s10, $0x1;
	s10 =	sld [smem:$0x3FB6];
	_ =	sdelay $0x3  }
0x37: {  	[smem:$0x3FB6] =	sst s10  }
0x38: {  	s10 =	sld [smem:$0x3FB7]  }
0x39: {  	_ = 	snop;
	(pc) =	sbr.ind lr, $3  }
0x3a: {  	_ = 	snop  }
0x3b: {  	_ = 	snop  }
0x3c: {  	p2 =	seq.s32 s10, $0x1;
	s10 =	sld [smem:$0x3FB6]  }
0x3d: {  	_ =	shalt  }
0x3e: {  	_ =	shalt  }
0x3f: {  	_ =	shalt  }
0x40: {  	_ =	shalt  }
0x41: {  	_ =	shalt  }
0x42: {  	_ =	shalt  }
0x43: {  	_ =	shalt  }
0x44: {  	_ =	shalt  }
0x45: {  	_ =	shalt  }
0x46: {  	_ =	shalt  }
0x47: {  	_ =	shalt  }
0x48: {  	_ =	shalt  }
0x49: {  	_ =	shalt  }
0x4a: {  	_ =	shalt  }
0x4b: {  	_ =	shalt  }
0x4c: {  	_ =	shalt  }
0x4d: {  	_ =	shalt  }
0x4e: {  	_ =	shalt  }
0x4f: {  	_ =	shalt  }
0x50: {  	_ =	shalt  }
0x51: {  	_ =	shalt  }
0x52: {  	_ =	shalt  }
0x53: {  	_ =	shalt  }
0x54: {  	_ =	shalt  }
0x55: {  	_ =	shalt  }
0x56: {  	_ =	shalt  }
0x57: {  	_ =	shalt  }
0x58: {  	_ =	shalt  }
0x59: {  	_ =	shalt  }
0x5a: {  	_ =	shalt  }
0x5b: {  	_ =	shalt  }
0x5c: {  	_ =	shalt  }
0x5d: {  	_ =	shalt  }
0x5e: {  	_ =	shalt  }
0x5f: {  	_ =	shalt  }
0x60: {  	_ =	shalt  }
0x61: {  	_ =	shalt  }
0x62: {  	_ =	shalt  }
0x63: {  	_ =	shalt  }
0x64: {  	_ =	shalt  }
0x65: {  	_ =	shalt  }
0x66: {  	_ =	shalt  }
0x67: {  	_ =	shalt  }
0x68: {  	_ =	shalt  }
0x69: {  	_ =	shalt  }
0x6a: {  	_ =	shalt  }
0x6b: {  	_ =	shalt  }
0x6c: {  	_ =	shalt  }
0x6d: {  	_ =	shalt  }
0x6e: {  	_ =	shalt  }
0x6f: {  	_ =	shalt  }
0x70: {  	_ =	shalt  }
0x71: {  	_ =	shalt  }
0x72: {  	_ =	shalt  }
0x73: {  	_ =	shalt  }
0x74: {  	_ =	shalt  }
0x75: {  	_ =	shalt  }
0x76: {  	_ =	shalt  }
0x77: {  	_ =	shalt  }
0x78: {  	_ =	shalt  }
0x79: {  	_ =	shalt  }
0x7a: {  	_ =	shalt  }
0x7b: {  	_ =	shalt  }
0x7c: {  	_ =	shalt  }
0x7d: {  	_ =	shalt  }
0x7e: {  	_ =	shalt  }
0x7f: {  	_ =	shalt  }
0x80: {  	_ =	shalt  }
0x81: {  	_ =	shalt  }
0x82: {  	_ =	shalt  }
0x83: {  	_ =	shalt  }
0x84: {  	_ =	shalt  }
0x85: {  	_ =	shalt  }
0x86: {  	_ =	shalt  }
0x87: {  	_ =	shalt  }
.Lfunc_end0:
.L_simem_size_0:
called_computation_lowered:
.L_overlay_start_0:
0x88: {  	s2 =	sld [smem:$0x3FD9]  }
0x89: {  	s3 =	sld [smem:$0x3FFE];
	_ =	sdelay $0x1  }
0x8a: {  	s1 =	srdreg.scid  }
0x8b: {  	s0 =	sand.u32 $0x1, s1  }
0x8c: {  	s17 =	sshll.u32 s0, $0xA;
	s2 =	sadd.s32 s3, s2  }
0x8d: {  	s2 =	sadd.s32 s2, s17  }
0x8e: {  	[smem:$0x3FC2] =	sst s2  }
0x8f: {  	_ = 	snop  }
0x90: {  	s2 =	sld [smem:$0x3FC9]  }
0x91: {  	s18 =	sld [smem:$0x3FD0];
	(tm) =	ssettm $0x1  }
0x92: {  	s4 =	sld [smem:$0x3FFB];
	_ =	sdelay $0x3  }
0x93: {  	_ =	strace s4  }
0x94: {  	s4 =	sld [smem:$0x3FFC];
	_ =	sdelay $0x3  }
0x95: {  	_ =	strace s4  }
0x96: {  	s4 =	sld [smem:$0x3FFD];
	_ =	sdelay $0x3  }
0x97: {  	_ =	strace s4  }
0x98: {  	_ =	strace $0x8FFFFFFF  }
0x99: {  	s19 =	sld [smem:$0x3FDB];
	_ =	sdelay $0x1  }
0x9a: {  	s5 =	simm.s32 $_scs_section_size  }
0x9b: {  	s6 =	simm.s32 $_size__tile_overlayer_lowered;
	s7 =	simm.s32 $_tile_overlayer_lowered  }
0x9c: {  	s22 =	simm.s32 $0x1BFF;
	s21 =	sshll.u32 s7, $0x1;
	s4 =	sadd.s32 s5, s19  }
0x9d: {  	s8 =	simm.s32 $0x0;
	s20 =	sshll.u32 s6, $0x1;
	s6 =	sadd.s32 s21, s4  }
0x9e: {  	[timem:s8], [sflag:s22] =	dma.local [hbm:s6], s20  }
0x9f: {  	_ =	swait.ge [sflag:s22], s20  }
0xa0: {  	s5 =	ssub.s32 $0x0, s20;
	[sflag:s22] =	ssyncset.done $0x0  }
0xa1: {  	[sflag:s22] =	ssyncadd.s32 s5;
	_ =	sdelay $0x1  }
0xa2: {  	s23 =	simm.s32 $0x1B8B  }
0xa3: {  	_ =	swait.ge [sflag:s23], $0x1  }
0xa4: {  	[sflag:s23] =	ssyncset.done $0x0  }
0xa5: {  	s25 =	simm.s32 $0x1B8E;
	s24 =	sld [smem:$0x3FFE];
	[sflag:s23] =	ssyncadd.s32 $0xFFFFFFFF  }
0xa6: {  	s26 =	simm.s32 $execute0_lowered;
	[smem:$0x3FD2] =	sst s25  }
0xa7: {  	s6 =	sshll.u32 s26, $0x1;
	_ =	strace $0x80000046;
	[dreg:$0x1] =	wrdreg $0xFFFFFFFF  }
0xa8: {  	s28 =	simm.s32 $_size_execute0_lowered;
	s4 =	sadd.s32 s4, s6;
	[dreg:$0x0] =	wrdreg $0x0  }
0xa9: {  	s6 =	sshll.u32 s28, $0x1;
	[dreg:$0x2] =	wrdreg s4  }
0xaa: {  	[dreg:$0x3] =	wrdreg s6  }
0xab: {  	[dreg:$0x4] =	wrdreg $0xC0  }
0xac: {  	_ =	task [dreg:s8], $0x5FFFF  }
0xad: {  	[dreg:$0x1] =	wrdreg $0xFFFFFFFF  }
0xae: {  	[dreg:$0x0] =	wrdreg $0x60  }
0xaf: {  	[dreg:$0x2] =	wrdreg s2  }
0xb0: {  	[dreg:$0x3] =	wrdreg s24  }
0xb1: {  	[dreg:$0x4] =	wrdreg s18  }
0xb2: {  	[dreg:$0x5] =	wrdreg $0x103800  }
0xb3: {  	[dreg:$0x6] =	wrdreg $0x9  }
0xb4: {  	_ =	task.clear_ibuf [dreg:s8], $0x7FFFF;
	_ =	strace $0x90000046  }
0xb5: {  	s29 =	simm.s32 $0x9;
	_ =	strace $0x80000048  }
0xb6: {  	_ =	swait.ge [sflag:s29], $0x1  }
0xb7: {  	[sflag:s29] =	ssyncadd.s32 $0xFFFFFFFF  }
0xb8: {  	_ =	strace $0x90000048  }
0xb9: {  	_ =	sfence  }
0xba: {  	s30 =	sld [smem:$0x0];
	_ =	sdelay $0x2  }
0xbb: {  	s31 =	sshll.u32 s1, $0xD;
	s1 =	sshrl.u32 s1, $0x2  }
0xbc: {  	s3 =	sand.u32 $0x4000, s31;
	s1 =	sadd.s32 s1, s30  }
0xbd: {  	s0 =	sor.u32 s3, s0;
	s1 =	sshll.u32 s1, $0x11  }
0xbe: {  	s0 =	sor.u32 s1, s0  }
0xbf: {  	s0 =	sadd.s32 $0x8F2B, s0  }
0xc0: {  	[sflag:s0] =	ssyncadd.remote.s32 $0x1  }
0xc1: {  	_ =	sfence.sel $0xFFFF  }
0xc2: {  	[dreg:$0x0] =	wrdreg $0xFFFFFFFF;
	(pc) =	sbr.abs _section_cstart, $3  }
0xc3: {  	[dreg:$0x1] =	wrdreg $0xFFFFFFFF  }
0xc4: {  	_ =	task.clear_ibuf [dreg:s8], $0x2FFFF;
	_ =	strace $0x9FFFFFFF  }
0xc5: {  	(tm) =	ssettm $0x7FFFFFFF  }
tec
execute0_lowered:
.L_overlay_start_1:
0x0: {  	(tag) =	ssettag $0x1  }
0x1: {  	s1 =	rddreg [dreg:$0x0]  }
0x2: {  	s0 =	rddreg [dreg:$0x1]  }
0x3: {  	s6 =	rddreg [dreg:$0x2]  }
0x4: {  	s2 =	rddreg [dreg:$0x3]  }
0x5: {  	s3 =	simm.s32 $0x0;
	s4 =	srdreg.scid;
	s7 =	stileid.u32  }
0x6: {  	s29 =	simm.s32 $0x200;
	s30 =	simm.s32 $0x9;
	s9 =	smul.u32 $0x4E20, s7  }
0x7: {  	s31 =	simm.s32 $0xB;
	s28 =	simm.s32 $0x14;
	s11 =	smul.u32 $0x27000, s7  }
0x8: {  	[smem:$0x7FF] =	sst s3;
	s8 =	sand.u32 $0x1, s4;
	s20 =	smul.u32 $0x138, s7  }
0x9: {  	s4 =	sadd.s32 $0xAE00, s0;
	s5 =	sadd.s32 $0x1000, s0;
	s13 =	smul.u32 $0x2710, s8  }
0xa: {  	_ =	strace $0x80000047;
	s10 =	ssub.s32 $0x2, s8;
	s11 =	sshrl.u32 s11, $0x2  }
0xb: {  	s0 =	smul.u32 $0x1388, s8;
	s9 =	sadd.s32 s13, s9;
	s18 =	sadd.s32 s11, s2  }
0xc: {  	s13 =	sshrl.u32 s9, $0x3;
	s16 =	sadd.s32 $0x1E0, s9;
	[dreg:$0x5] =	wrdreg s18  }
0xd: {  	s11 =	smul.u32 $0x7D, s8;
	s14 =	sadd.s32 s5, s13;
	[dreg:$0x14] =	wrdreg s16  }
0xe: {  	s12 =	sshrl.u32 s10, $0x1;
	s21 =	sadd.s32 s4, s13;
	[dreg:$0x6] =	wrdreg s14  }
0xf: {  	s10 =	ssub.s32 s10, s12;
	s17 =	sadd.s32 $0x7, s11;
	[dreg:$0x7] =	wrdreg s21  }
0x10: {  	s12 =	sadd.s32 s20, s0;
	s19 =	sadd.s32 $0x6, s11;
	[dreg:$0x15] =	wrdreg s17  }
0x11: {  	s22 =	sadd.s32 $0xA, s13;
	s20 =	sadd.s32 $0x5, s11;
	[dreg:$0x16] =	wrdreg s19  }
0x12: {  	s8 =	smul.u32 $0x9C400, s8;
	s15 =	sadd.s32 s5, s22;
	[dreg:$0x17] =	wrdreg s20  }
0x13: {  	s23 =	sadd.s32 $0x14, s13;
	s14 =	sadd.s32 s4, s22;
	[dreg:$0x8] =	wrdreg s15  }
0x14: {  	s12 =	sshll.u32 s12, $0x4;
	s24 =	sadd.s32 s5, s23;
	[dreg:$0x9] =	wrdreg s14  }
0x15: {  	s13 =	sadd.s32 $0x1E, s13;
	s25 =	sadd.s32 s4, s23;
	[dreg:$0xa] =	wrdreg s24  }
0x16: {  	s8 =	sshrl.u32 s8, $0x3;
	s26 =	sadd.s32 s5, s13;
	[dreg:$0xb] =	wrdreg s25  }
0x17: {  	s8 =	sadd.s32 s6, s8;
	s13 =	sadd.s32 s4, s13;
	[dreg:$0xc] =	wrdreg s26  }
0x18: {  	s6 =	sadd.s32 s6, s12;
	s12 =	smax.u32 s10, $0x1;
	[dreg:$0xd] =	wrdreg s13  }
0x19: {  	p0 =	sne.s32 s7, $0x0;
	s21 =	sadd.s32 $0x4, s11;
	[dreg:$0x10] =	wrdreg s12  }
0x1a: {  	s23 =	sadd.s32 $0x190, s9;
	s17 =	simm.s32 $0x50;
	[dreg:$0x18] =	wrdreg s21  }
0x1b: {  	s20 =	simm.s32 $0xF;
	s8 =	sadd.s32 $0x13800, s8;
	[dreg:$0xe] =	wrdreg s6  }
0x1c: {  	s10 =	simm.s32 $0x0;
	s13 =	sadd.s32 $0x280, s9;
	[dreg:$0xf] =	wrdreg s8  }
0x1d: {  	s14 =	sadd.s32 $0x8, s11;
	s15 =	sadd.s32 $0x230, s9;
	[dreg:$0x11] =	wrdreg s13  }
0x1e: {  	s26 =	sadd.s32 $0x140, s9;
	s24 =	sadd.s32 $0x6800, s18;
	[dreg:$0x12] =	wrdreg s14  }
0x1f: {  	s25 =	sadd.s32 $0x9C000, s2;
	s22 =	sadd.s32 $0x680, s6;
	[dreg:$0x13] =	wrdreg s15  }
.Ltmp0:
0x20: {  	s6 =	sadd.s32 $0xD00, s6;
	[dreg:$0x1c] =	wrdreg s22;
	(pc) =	sbr.rel .LBB2_1-.Ltmp0, $4  }
0x21: {  	s11 =	simm.s32 $0x5;
	s12 =	simm.s32 $0xA;
	[dreg:$0x1d] =	wrdreg s6  }
0x22: {  	s9 =	simm.s32 $0xC;
	s21 =	simm.s32 $0xD;
	[dreg:$0x1a] =	wrdreg s24  }
0x23: {  	s15 =	sadd.s32 $0x3400, s18;
	s22 =	simm.s32 $0x2F80;
	[dreg:$0x1b] =	wrdreg s25  }
0x24: {  	v1 =	vimm.f32 $0.0e+00;
	v0 =	vmov s0;
	s6 =	simm.s32 $0x4;
	s8 =	simm.s32 $0xE;
	[dreg:$0x19] =	wrdreg s15  }
.LBB2_8:
0x25: {  	s0 =	simm.s32 $0x10  }
0x26: {  	_ =	swait.ge [sflag:s0], $0x2800  }
0x27: {  	[sflag:s0] =	ssyncset.done $0x0  }
0x28: {  	s18 =	simm.s32 $0x11;
	[sflag:s0] =	ssyncadd.s32 $0xFFFFD800  }
0x29: {  	_ =	swait.ge [sflag:s18], $0x2800  }
0x2a: {  	[sflag:s18] =	ssyncset.done $0x0  }
0x2b: {  	s19 =	simm.s32 $0x12;
	[sflag:s18] =	ssyncadd.s32 $0xFFFFD800  }
0x2c: {  	_ =	swait.ge [sflag:s19], $0x2800  }
0x2d: {  	[sflag:s19] =	ssyncset.done $0x0  }
0x2e: {  	s24 =	simm.s32 $0x13;
	[sflag:s19] =	ssyncadd.s32 $0xFFFFD800  }
0x2f: {  	_ =	swait.ge [sflag:s24], $0x2800  }
0x30: {  	[sflag:s24] =	ssyncset.done $0x0  }
0x31: {  	[sflag:s24] =	ssyncadd.s32 $0xFFFFD800  }
0x32: {  	_ =	swait.ge [sflag:s28], $0x2800  }
0x33: {  	[sflag:s28] =	ssyncset.done $0x0  }
0x34: {  	[sflag:s28] =	ssyncadd.s32 $0xFFFFD800  }
0x35: {  	[bflag:$0x0] =	sbarrier.arrive $0xFFFF  }
0x36: {  	s7 =	simm.s32 $0xCF80;
	s10 =	simm.s32 $0x15;
	s18 =	rddreg [dreg:$0x5]  }
0x37: {  	[tilespmem:s7], [sflag:$0x15] =	stream.linear.gather [spmem:s18], $0x3400, $0x38;
	[tilespmem:$0x1A1C0] =	vst v63  }
0x38: {  	_ =	swait.ge [sflag:s10], $0x3400  }
0x39: {  	[sflag:s10] =	ssyncset.done $0x0  }
0x3a: {  	s25 =	rddreg [dreg:$0xe];
	[sflag:s10] =	ssyncadd.s32 $0xFFFFCC00  }
0x3b: {  	[hbm4b:s25+s3] =	stream.linear.scatter [tilespmem:s7], [sflag:$0x15], $0x3400, $0x38;
	[tilespmem:$0x1A1C0] =	vst v63  }
0x3c: {  	_ =	swait.ge [sflag:s10], $0x3400  }
0x3d: {  	[sflag:s10] =	ssyncset.done $0x0  }
0x3e: {  	s15 =	rddreg [dreg:$0x19];
	[sflag:s10] =	ssyncadd.s32 $0xFFFFCC00  }
0x3f: {  	[tilespmem:s7], [sflag:$0x15] =	stream.linear.gather [spmem:s15], $0x3400, $0x38;
	[tilespmem:$0x1A1C0] =	vst v63  }
0x40: {  	_ =	swait.ge [sflag:s10], $0x3400  }
0x41: {  	[sflag:s10] =	ssyncset.done $0x0  }
0x42: {  	s13 =	rddreg [dreg:$0x1c];
	[sflag:s10] =	ssyncadd.s32 $0xFFFFCC00  }
0x43: {  	[hbm4b:s13+s3] =	stream.linear.scatter [tilespmem:s7], [sflag:$0x15], $0x3400, $0x38;
	[tilespmem:$0x1A1C0] =	vst v63  }
0x44: {  	_ =	swait.ge [sflag:s10], $0x3400  }
0x45: {  	[sflag:s10] =	ssyncset.done $0x0  }
0x46: {  	s24 =	rddreg [dreg:$0x1a];
	[sflag:s10] =	ssyncadd.s32 $0xFFFFCC00  }
0x47: {  	[tilespmem:s7], [sflag:$0x15] =	stream.linear.gather [spmem:s24], $0x3400, $0x38;
	[tilespmem:$0x1A1C0] =	vst v63  }
0x48: {  	_ =	swait.ge [sflag:s10], $0x3400  }
0x49: {  	[sflag:s10] =	ssyncset.done $0x0  }
0x4a: {  	s14 =	rddreg [dreg:$0x1d];
	[sflag:s10] =	ssyncadd.s32 $0xFFFFCC00  }
0x4b: {  	[hbm4b:s14+s3] =	stream.linear.scatter [tilespmem:s7], [sflag:$0x15], $0x3400, $0x38;
	[tilespmem:$0x1A1C0] =	vst v63  }
0x4c: {  	_ =	swait.ge [sflag:s10], $0x3400  }
0x4d: {  	s0 =	simm.s32 @!p0 $0xCF80;
	[sflag:s10] =	ssyncset.done $0x0  }
0x4e: {  	s7 =	simm.s32 @!p0 $0x15;
	s25 =	rddreg [dreg:$0x1b];
	[sflag:s10] =	ssyncadd.s32 $0xFFFFCC00  }
0x4f: {  	[tilespmem:s0], [sflag:$0x15] =	stream.linear.gather @!p0 [spmem:s25], $0x400, $0x38;
	[tilespmem:$0x1A1C0] =	vst v63  }
0x50: {  	_ =	swait.ge @!p0 [sflag:s7], $0x400  }
0x51: {  	[sflag:s7] =	ssyncset.done @!p0 $0x0  }
0x52: {  	s10 =	simm.s32 @!p0 $0x0;
	s14 =	rddreg [dreg:$0xf];
	[sflag:s7] =	ssyncadd.s32 @!p0 $0xFFFFFC00  }
0x53: {  	[hbm4b:s14+s10] =	stream.linear.scatter @!p0 [tilespmem:s0], [sflag:$0x15], $0x400, $0x38;
	[tilespmem:$0x1A1C0] =	vst v63  }
0x54: {  	_ =	swait.ge @!p0 [sflag:s7], $0x400  }
0x55: {  	s16 =	rddreg [dreg:$0x1e]  }
0x56: {  	s19 =	rddreg [dreg:$0x10];
	s10 =	sadd.s32 $0x1, s16  }
0x57: {  	p1 =	sne.s32 s10, s19  }
.Ltmp1:
0x58: {  	_ = 	snop;
	(pc) =	sbr.rel @!p1 .LBB2_9-.Ltmp1, $3  }
0x59: {  	_ =	sdelay $0x1  }
0x5a: {  	[sflag:s7] =	ssyncset.done @!p0 $0x0  }
0x5b: {  	[sflag:s7] =	ssyncadd.s32 @!p0 $0xFFFFFC00  }
.LBB2_1:
0x5c: {  	s0 =	sand.u32 $0xFE00, s3  }
0x5d: {  	[dreg:$0x1e] =	wrdreg s10;
	s19 =	sand.u32 $0x70, s3;
	s16 =	sshrl.u32 s0, $0x2  }
0x5e: {  	s10 =	simm.s32 $0x0;
	s0 =	simm.s32 $0x40;
	s16 =	sor.u32 s19, s16  }
.LBB2_2:
0x5f: {  	p1 =	sne.s32 s0, $0xCFC0  }
0x60: {  	[tilespmem:s16+$0xCF80] =	vst v1;
	s10 =	sadd.s32 $0x10, s10;
	s16 =	smov.u32 s0;
	s0 =	sadd.s32 $0x40, s0  }
.Ltmp2:
0x61: {  	(pc) =	sbr.rel @p1 .LBB2_2-.Ltmp2, $4  }
0x62: {  	_ = 	snop  }
0x63: {  	s16 =	sand.u32 $0xFE00, s16  }
0x64: {  	s19 =	sand.u32 $0x70, s10;
	s16 =	sshrl.u32 s16, $0x2  }
0x65: {  	s16 =	sor.u32 s19, s16  }
0x66: {  	[tilespmem:s16+$0xCF80] =	vst v1;
	s0 =	simm.s32 $0xCF80;
	s7 =	simm.s32 $0x15  }
0x67: {  	[spmem:s18] =	stream.linear.scatter [tilespmem:s0], [sflag:$0x15], $0x3400, $0x38;
	[tilespmem:$0x1A1C0] =	vst v63  }
0x68: {  	_ =	swait.ge [sflag:s7], $0x3400  }
0x69: {  	[sflag:s7] =	ssyncset.done $0x0  }
0x6a: {  	[sflag:s7] =	ssyncadd.s32 $0xFFFFCC00  }
0x6b: {  	[spmem:s15] =	stream.linear.scatter [tilespmem:s0], [sflag:$0x15], $0x3400, $0x38;
	[tilespmem:$0x1A1C0] =	vst v63  }
0x6c: {  	_ =	swait.ge [sflag:s7], $0x3400  }
0x6d: {  	[sflag:s7] =	ssyncset.done $0x0  }
0x6e: {  	[sflag:s7] =	ssyncadd.s32 $0xFFFFCC00  }
0x6f: {  	[spmem:s24] =	stream.linear.scatter [tilespmem:s0], [sflag:$0x15], $0x3400, $0x38;
	[tilespmem:$0x1A1C0] =	vst v63  }
0x70: {  	_ =	swait.ge [sflag:s7], $0x3400  }
0x71: {  	[sflag:s7] =	ssyncset.done $0x0  }
0x72: {  	s0 =	simm.s32 @!p0 $0xCF80;
	[sflag:s7] =	ssyncadd.s32 $0xFFFFCC00  }
0x73: {  	[spmem:s25] =	stream.linear.scatter @!p0 [tilespmem:s0], [sflag:$0x15], $0x400, $0x38;
	[tilespmem:$0x1A1C0] =	vst v63  }
0x74: {  	s0 =	simm.s32 @!p0 $0x15  }
0x75: {  	_ =	swait.ge @!p0 [sflag:s0], $0x400  }
0x76: {  	[sflag:s0] =	ssyncset.done @!p0 $0x0  }
0x77: {  	[sflag:s0] =	ssyncadd.s32 @!p0 $0xFFFFFC00  }
0x78: {  	[bflag:$0x0] =	sbarrier.arrive $0xFFFF  }
0x79: {  	s10 =	simm.s32 $0x0;
	s16 =	rddreg [dreg:$0x6]  }
0x7a: {  	[tilespmem:s10], [sflag:$0x1] =	stream.linear.gather [hbm4b:s16+s10], $0x50, $0x38;
	[tilespmem:$0x1A1C0] =	vst v63  }
0x7b: {  	s19 =	simm.s32 $0x280;
	s18 =	rddreg [dreg:$0x7]  }
0x7c: {  	[tilespmem:s19], [sflag:$0x6] =	stream.linear.gather [hbm4b:s18+s10], $0x50, $0x38;
	[tilespmem:$0x1A1C0] =	vst v63  }
0x7d: {  	s7 =	simm.s32 $0x80;
	s24 =	rddreg [dreg:$0x8]  }
0x7e: {  	[tilespmem:s7], [sflag:$0x2] =	stream.linear.gather [hbm4b:s24+s10], $0x50, $0x38;
	[tilespmem:$0x1A1C0] =	vst v63  }
0x7f: {  	s14 =	simm.s32 $0x300;
	s25 =	rddreg [dreg:$0x9]  }
0x80: {  	[tilespmem:s14], [sflag:$0x7] =	stream.linear.gather [hbm4b:s25+s10], $0x50, $0x38;
	[tilespmem:$0x1A1C0] =	vst v63  }
0x81: {  	s13 =	rddreg [dreg:$0xa];
	s14 =	simm.s32 $0x100  }
0x82: {  	[tilespmem:s14], [sflag:$0x3] =	stream.linear.gather [hbm4b:s13+s10], $0x50, $0x38;
	[tilespmem:$0x1A1C0] =	vst v63  }
0x83: {  	s15 =	rddreg [dreg:$0xb];
	s16 =	simm.s32 $0x380  }
0x84: {  	[tilespmem:s16], [sflag:$0x8] =	stream.linear.gather [hbm4b:s15+s10], $0x50, $0x38;
	[tilespmem:$0x1A1C0] =	vst v63  }
0x85: {  	s18 =	rddreg [dreg:$0xc];
	s19 =	simm.s32 $0x180  }
0x86: {  	[tilespmem:s19], [sflag:$0x4] =	stream.linear.gather [hbm4b:s18+s10], $0x50, $0x38;
	[tilespmem:$0x1A1C0] =	vst v63  }
0x87: {  	s24 =	rddreg [dreg:$0xd];
	s25 =	simm.s32 $0x400;
	s13 =	simm.s32 $0x1  }
0x88: {  	[tilespmem:s25], [sflag:$0x9] =	stream.linear.gather [hbm4b:s24+s10], $0x50, $0x38;
	[tilespmem:$0x1A1C0] =	vst v63  }
0x89: {  	_ =	swait.ge [sflag:s13], $0x50  }
0x8a: {  	[sflag:s13] =	ssyncset.done $0x0  }
0x8b: {  	s15 =	simm.s32 $0x780;
	s16 =	simm.s32 $0x6;
	[sflag:s13] =	ssyncadd.s32 $0xFFFFFFB0  }
0x8c: {  	[tilespmem:s15], [sflag:$0xB] =	stream.indirect.gather [hbm4b:s1+s17], $0x80, s10, s17, $0xb8;
	[tilespmem:$0x1A1C0] =	vst v63  }
0x8d: {  	_ =	swait.ge [sflag:s16], $0x50  }
0x8e: {  	[sflag:s16] =	ssyncset.done $0x0  }
0x8f: {  	[sflag:s16] =	ssyncadd.s32 $0xFFFFFFB0  }
0x90: {  	v2 =	vld [tilespmem:$0x280]  }
0x91: {  	v3 =	vld [tilespmem:$0x290]  }
0x92: {  	v4 =	vld [tilespmem:$0x2A0]  }
0x93: {  	v6 =	vld [tilespmem:$0x2B0]  }
0x94: {  	v8 =	vld [tilespmem:$0x2C0];
	_ =	sdelay $0x2  }
0x95: {  	v5 =	vsub.s32 v2, v0;
	v2 =	vand.u32 $0x3F, v2;
	v7 =	vsub.s32 v3, v0  }
0x96: {  	v3 =	vand.u32 $0x3F, v3;
	v39 =	vsub.s32 v4, v0;
	v4 =	vand.u32 $0x3F, v4  }
0x97: {  	v40 =	vsub.s32 v6, v0;
	v41 =	vand.u32 $0x3F, v6;
	v42 =	vsub.s32 v8, v0  }
0x98: {  	v43 =	vand.u32 $0x3F, v8;
	vm0 =	vlt.u32 v5, $0x1388;
	v2 =	vadd.s32 $0x1388, v2  }
0x99: {  	vm14 =	vlt.u32 v7, $0x1388;
	v3 =	vadd.s32 $0x1388, v3;
	v2 =	vsel vm0, v5, v2  }
0x9a: {  	vm15 =	vlt.u32 v39, $0x1388;
	v4 =	vadd.s32 $0x1388, v4;
	v3 =	vsel vm14, v7, v3;
	[tilespmem:$0x500] =	vst v2  }
0x9b: {  	vm4 =	vlt.u32 v40, $0x1388;
	v2 =	vsel vm15, v39, v4;
	[tilespmem:$0x510] =	vst v3;
	v3 =	vadd.s32 $0x1388, v41  }
0x9c: {  	vm5 =	vlt.u32 v42, $0x1388;
	[tilespmem:$0x520] =	vst v2;
	v2 =	vsel vm4, v40, v3;
	v3 =	vadd.s32 $0x1388, v43  }
0x9d: {  	[tilespmem:$0x530] =	vst v2;
	v2 =	vsel vm5, v42, v3  }
0x9e: {  	s18 =	simm.s32 $0x2;
	[tilespmem:$0x540] =	vst v2  }
0x9f: {  	_ =	swait.ge [sflag:s18], $0x50  }
0xa0: {  	[sflag:s18] =	ssyncset.done $0x0  }
0xa1: {  	s19 =	simm.s32 $0x7;
	[sflag:s18] =	ssyncadd.s32 $0xFFFFFFB0  }
0xa2: {  	[tilespmem:s22], [sflag:$0xC] =	stream.indirect.gather [hbm4b:s1+s17], $0x80, s7, s17, $0xb8;
	[tilespmem:$0x1A1C0] =	vst v63  }
0xa3: {  	_ =	swait.ge [sflag:s19], $0x50  }
0xa4: {  	[sflag:s19] =	ssyncset.done $0x0  }
0xa5: {  	[sflag:s19] =	ssyncadd.s32 $0xFFFFFFB0  }
0xa6: {  	v2 =	vld [tilespmem:$0x300]  }
0xa7: {  	v3 =	vld [tilespmem:$0x310]  }
0xa8: {  	v44 =	vld [tilespmem:$0x320]  }
0xa9: {  	v46 =	vld [tilespmem:$0x330]  }
0xaa: {  	v48 =	vld [tilespmem:$0x340];
	_ =	sdelay $0x2  }
0xab: {  	v45 =	vsub.s32 v2, v0;
	v2 =	vand.u32 $0x3F, v2;
	v47 =	vsub.s32 v3, v0  }
0xac: {  	v3 =	vand.u32 $0x3F, v3;
	v49 =	vsub.s32 v44, v0;
	v4 =	vand.u32 $0x3F, v44  }
0xad: {  	v50 =	vsub.s32 v46, v0;
	v51 =	vand.u32 $0x3F, v46;
	v52 =	vsub.s32 v48, v0  }
0xae: {  	v53 =	vand.u32 $0x3F, v48;
	vm6 =	vlt.u32 v45, $0x1388;
	v2 =	vadd.s32 $0x1388, v2  }
0xaf: {  	vm7 =	vlt.u32 v47, $0x1388;
	v3 =	vadd.s32 $0x1388, v3;
	v2 =	vsel vm6, v45, v2  }
0xb0: {  	vm8 =	vlt.u32 v49, $0x1388;
	v4 =	vadd.s32 $0x1388, v4;
	v3 =	vsel vm7, v47, v3;
	[tilespmem:$0x580] =	vst v2  }
0xb1: {  	vm9 =	vlt.u32 v50, $0x1388;
	v2 =	vsel vm8, v49, v4;
	[tilespmem:$0x590] =	vst v3;
	v3 =	vadd.s32 $0x1388, v51  }
0xb2: {  	vm10 =	vlt.u32 v52, $0x1388;
	[tilespmem:$0x5A0] =	vst v2;
	v2 =	vsel vm9, v50, v3;
	v3 =	vadd.s32 $0x1388, v53  }
0xb3: {  	[tilespmem:$0x5B0] =	vst v2;
	v2 =	vsel vm10, v52, v3  }
0xb4: {  	s22 =	simm.s32 $0x3;
	[tilespmem:$0x5C0] =	vst v2  }
0xb5: {  	_ =	swait.ge [sflag:s22], $0x50  }
0xb6: {  	[sflag:s22] =	ssyncset.done $0x0  }
0xb7: {  	s24 =	simm.s32 $0x5780;
	s25 =	simm.s32 $0x8;
	[sflag:s22] =	ssyncadd.s32 $0xFFFFFFB0  }
0xb8: {  	[tilespmem:s24], [sflag:$0xD] =	stream.indirect.gather [hbm4b:s1+s17], $0x80, s14, s17, $0xb8;
	[tilespmem:$0x1A1C0] =	vst v63  }
0xb9: {  	_ =	swait.ge [sflag:s25], $0x50  }
0xba: {  	[sflag:s25] =	ssyncset.done $0x0  }
0xbb: {  	[sflag:s25] =	ssyncadd.s32 $0xFFFFFFB0  }
0xbc: {  	v2 =	vld [tilespmem:$0x380]  }
0xbd: {  	v3 =	vld [tilespmem:$0x390]  }
0xbe: {  	v54 =	vld [tilespmem:$0x3A0]  }
0xbf: {  	v56 =	vld [tilespmem:$0x3B0]  }
0xc0: {  	v58 =	vld [tilespmem:$0x3C0];
	_ =	sdelay $0x2  }
0xc1: {  	v55 =	vsub.s32 v2, v0;
	v2 =	vand.u32 $0x3F, v2;
	v57 =	vsub.s32 v3, v0  }
0xc2: {  	v3 =	vand.u32 $0x3F, v3;
	v59 =	vsub.s32 v54, v0;
	v4 =	vand.u32 $0x3F, v54  }
0xc3: {  	v60 =	vsub.s32 v56, v0;
	v61 =	vand.u32 $0x3F, v56;
	v62 =	vsub.s32 v58, v0  }
0xc4: {  	v63 =	vand.u32 $0x3F, v58;
	vm11 =	vlt.u32 v55, $0x1388;
	v2 =	vadd.s32 $0x1388, v2  }
0xc5: {  	vm12 =	vlt.u32 v57, $0x1388;
	v3 =	vadd.s32 $0x1388, v3;
	v2 =	vsel vm11, v55, v2  }
.Ltmp3:
0xc6: {  	s19 =	rddreg [dreg:$0x18];
	vm13 =	vlt.u32 v59, $0x1388;
	v4 =	vadd.s32 $0x1388, v4;
	v3 =	vsel vm12, v57, v3;
	[tilespmem:$0x600] =	vst v2;
	(pc) =	sbr.rel .LBB2_4-.Ltmp3, $4  }
0xc7: {  	s16 =	rddreg [dreg:$0x16];
	vm14 =	vlt.u32 v60, $0x1388;
	v2 =	vsel vm13, v59, v4;
	[tilespmem:$0x610] =	vst v3;
	v3 =	vadd.s32 $0x1388, v61  }
0xc8: {  	s24 =	rddreg [dreg:$0x15];
	vm15 =	vlt.u32 v62, $0x1388;
	[tilespmem:$0x620] =	vst v2;
	v2 =	vsel vm14, v60, v3;
	v3 =	vadd.s32 $0x1388, v63  }
0xc9: {  	s0 =	rddreg [dreg:$0x12];
	[tilespmem:$0x630] =	vst v2;
	v2 =	vsel vm15, v62, v3  }
0xca: {  	s13 =	simm.s32 $0x7F80;
	s25 =	rddreg [dreg:$0x17];
	[tilespmem:$0x640] =	vst v2  }
.LBB2_6:
0xcb: {  	_ =	swait.ge [sflag:s21], $0x2800  }
0xcc: {  	s22 =	simm.s32 $0x2F80;
	[sflag:s21] =	ssyncset.done $0x0  }
0xcd: {  	s7 =	simm.s32 $0x5780;
	s13 =	simm.s32 $0x600;
	[sflag:s21] =	ssyncadd.s32 $0xFFFFD800  }
0xce: {  	[spmem:s2] =	stream.indirect.scatter.add.f32 [tilespmem:s7], [sflag:$0x12], $0x80, s13, s17, $0xb8;
	[tilespmem:$0x1A1C0] =	vst v63  }
.LBB2_7:
0xcf: {  	s7 =	smulhi.u32 $0x10624DD3, s0  }
0xd0: {  	_ =	swait.ge [sflag:s8], $0x2800  }
0xd1: {  	s13 =	simm.s32 $0x680;
	[sflag:s8] =	ssyncset.done $0x0;
	s7 =	sshrl.u32 s7, $0x4  }
0xd2: {  	s14 =	rddreg [dreg:$0x11];
	[sflag:s8] =	ssyncadd.s32 $0xFFFFD800;
	s7 =	smul.u32 $0x4E20, s7  }
0xd3: {  	[spmem:s2] =	stream.indirect.scatter.add.f32 [tilespmem:s18], [sflag:$0x13], $0x80, s13, s17, $0xb8;
	[tilespmem:$0x1A1C0] =	vst v63  }
0xd4: {  	s7 =	ssub.s32 s14, s7  }
0xd5: {  	s7 =	sadd.s32 @!p1 s7, s10  }
0xd6: {  	s7 =	sshrl.u32 @!p1 s7, $0x3  }
0xd7: {  	s15 =	simm.s32 @!p1 $0x0;
	s18 =	simm.s32 @!p1 $0x180;
	s14 =	sadd.s32 @!p1 s5, s7  }
0xd8: {  	[tilespmem:s18], [sflag:$0x4] =	stream.linear.gather @!p1 [hbm4b:s14+s15], $0x50, $0x38;
	[tilespmem:$0x1A1C0] =	vst v63  }
0xd9: {  	s7 =	sadd.s32 @!p1 s4, s7;
	s14 =	simm.s32 @!p1 $0x400  }
0xda: {  	[tilespmem:s14], [sflag:$0x9] =	stream.linear.gather @!p1 [hbm4b:s7+s15], $0x50, $0x38;
	[tilespmem:$0x1A1C0] =	vst v63  }
0xdb: {  	s7 =	simm.s32 @!p1 $0x12  }
0xdc: {  	_ =	swait.ge @!p1 [sflag:s7], $0x2800  }
0xdd: {  	[sflag:s7] =	ssyncset.done @!p1 $0x0  }
0xde: {  	[sflag:s7] =	ssyncadd.s32 @!p1 $0xFFFFD800;
	s7 =	simm.s32 @!p1 $0x3  }
0xdf: {  	_ =	swait.ge @!p1 [sflag:s7], $0x50  }
0xe0: {  	s14 =	simm.s32 @!p1 $0x100;
	[sflag:s7] =	ssyncset.done @!p1 $0x0  }
0xe1: {  	s15 =	simm.s32 @!p1 $0x5780;
	[sflag:s7] =	ssyncadd.s32 @!p1 $0xFFFFFFB0;
	s7 =	simm.s32 @!p1 $0x50  }
0xe2: {  	[tilespmem:s15], [sflag:$0xD] =	stream.indirect.gather @!p1 [hbm4b:s1+s7], $0x80, s14, s7, $0xb8;
	[tilespmem:$0x1A1C0] =	vst v63  }
0xe3: {  	s7 =	simm.s32 @!p1 $0x8  }
0xe4: {  	_ =	swait.ge @!p1 [sflag:s7], $0x50  }
0xe5: {  	[sflag:s7] =	ssyncset.done @!p1 $0x0  }
0xe6: {  	[sflag:s7] =	ssyncadd.s32 @!p1 $0xFFFFFFB0  }
0xe7: {  	v2 =	vld @!p1 [tilespmem:$0x380]  }
0xe8: {  	v3 =	vld @!p1 [tilespmem:$0x390];
	_ =	sdelay $0x2  }
0xe9: {  	v4 =	vld @!p1 [tilespmem:$0x3A0]  }
0xea: {  	v6 =	vld @!p1 [tilespmem:$0x3B0]  }
0xeb: {  	v5 =	vsub.s32 @!p1 v2, v0;
	v2 =	vand.u32 @!p1 $0x3F, v2;
	v7 =	vsub.s32 @!p1 v3, v0  }
0xec: {  	v8 =	vld @!p1 [tilespmem:$0x3C0];
	v3 =	vand.u32 @!p1 $0x3F, v3;
	vm0 =	vlt.u32 @!p1 v5, $0x1388;
	v2 =	vadd.s32 @!p1 $0x1388, v2  }
0xed: {  	v3 =	vadd.s32 @!p1 $0x1388, v3;
	v2 =	vsel @!p1 vm0, v5, v2;
	vm0 =	vlt.u32 @!p1 v7, $0x1388  }
0xee: {  	v5 =	vsub.s32 @!p1 v4, v0;
	v4 =	vand.u32 @!p1 $0x3F, v4;
	v3 =	vsel @!p1 vm0, v7, v3  }
0xef: {  	vm0 =	vlt.u32 @!p1 v5, $0x1388;
	v4 =	vadd.s32 @!p1 $0x1388, v4;
	v7 =	vsub.s32 @!p1 v6, v0  }
0xf0: {  	[tilespmem:$0x600] =	vst @!p1 v2;
	v2 =	vsel @!p1 vm0, v5, v4;
	vm0 =	vlt.u32 @!p1 v7, $0x1388;
	v4 =	vand.u32 @!p1 $0x3F, v6  }
0xf1: {  	[tilespmem:$0x610] =	vst @!p1 v3;
	v5 =	vand.u32 @!p1 $0x3F, v8;
	v3 =	vadd.s32 @!p1 $0x1388, v4;
	v4 =	vsub.s32 @!p1 v8, v0  }
0xf2: {  	[tilespmem:$0x620] =	vst @!p1 v2;
	v2 =	vsel @!p1 vm0, v7, v3;
	vm0 =	vlt.u32 @!p1 v4, $0x1388;
	v3 =	vadd.s32 @!p1 $0x1388, v5  }
0xf3: {  	s10 =	sadd.s32 $0x190, s10;
	[tilespmem:$0x630] =	vst @!p1 v2;
	v2 =	vsel @!p1 vm0, v4, v3  }
0xf4: {  	[tilespmem:$0x640] =	vst @!p1 v2;
	p1 =	sne.s32 s10, $0x4E20  }
.Ltmp4:
0xf5: {  	s0 =	sadd.s32 $0x5, s0;
	s24 =	sadd.s32 $0x5, s24;
	(pc) =	sbr.rel @!p1 .LBB2_8-.Ltmp4, $4  }
0xf6: {  	s16 =	sadd.s32 $0x5, s16;
	s25 =	sadd.s32 $0x5, s25;
	_ =	swait.ge [sflag:s20], $0x2800  }
0xf7: {  	s19 =	sadd.s32 $0x5, s19;
	s13 =	simm.s32 $0x7F80;
	[sflag:s20] =	ssyncset.done $0x0  }
0xf8: {  	s18 =	simm.s32 $0x700;
	s15 =	simm.s32 $0xA780;
	[sflag:s20] =	ssyncadd.s32 $0xFFFFD800  }
0xf9: {  	[spmem:s2] =	stream.indirect.scatter.add.f32 [tilespmem:s15], [sflag:$0x14], $0x80, s18, s17, $0xb8;
	[tilespmem:$0x1A1C0] =	vst v63  }
.LBB2_4:
0xfa: {  	s7 =	smulhi.u32 $0x10624DD3, s19;
	_ =	sdelay $0x1  }
0xfb: {  	s7 =	sshrl.u32 s7, $0x4  }
0xfc: {  	s7 =	smul.u32 $0x4E20, s7;
	_ =	sdelay $0x1  }
0xfd: {  	s7 =	ssub.s32 s26, s7  }
0xfe: {  	s7 =	sadd.s32 s7, s10  }
0xff: {  	s7 =	sshrl.u32 s7, $0x3  }
0x100: {  	s14 =	sadd.s32 s5, s7  }
0x101: {  	[tilespmem:s29], [sflag:$0x5] =	stream.linear.gather [hbm4b:s14+s3], $0x50, $0x38;
	[tilespmem:$0x1A1C0] =	vst v63  }
0x102: {  	s22 =	simm.s32 $0x480;
	p1 =	seq.s32 s10, $0x0;
	s7 =	sadd.s32 s4, s7  }
0x103: {  	[tilespmem:s22], [sflag:$0xA] =	stream.linear.gather [hbm4b:s7+s3], $0x50, $0x38;
	[tilespmem:$0x1A1C0] =	vst v63  }
0x104: {  	s7 =	simm.s32 @!p1 $0x13  }
0x105: {  	_ =	swait.ge @!p1 [sflag:s7], $0x2800  }
0x106: {  	[sflag:s7] =	ssyncset.done @!p1 $0x0  }
0x107: {  	[sflag:s7] =	ssyncadd.s32 @!p1 $0xFFFFD800  }
0x108: {  	_ =	swait.ge [sflag:s6], $0x50  }
0x109: {  	[sflag:s6] =	ssyncset.done $0x0  }
0x10a: {  	s14 =	simm.s32 $0x180;
	[sflag:s6] =	ssyncadd.s32 $0xFFFFFFB0  }
0x10b: {  	[tilespmem:s13], [sflag:$0xE] =	stream.indirect.gather [hbm4b:s1+s17], $0x80, s14, s17, $0xb8;
	[tilespmem:$0x1A1C0] =	vst v63  }
0x10c: {  	_ =	swait.ge [sflag:s30], $0x50  }
0x10d: {  	[sflag:s30] =	ssyncset.done $0x0  }
0x10e: {  	[sflag:s30] =	ssyncadd.s32 $0xFFFFFFB0  }
0x10f: {  	v2 =	vld [tilespmem:$0x400]  }
0x110: {  	v3 =	vld [tilespmem:$0x410]  }
0x111: {  	v4 =	vld [tilespmem:$0x420]  }
0x112: {  	v6 =	vld [tilespmem:$0x430]  }
0x113: {  	v8 =	vld [tilespmem:$0x440];
	_ =	sdelay $0x2  }
0x114: {  	v5 =	vsub.s32 v2, v0;
	v2 =	vand.u32 $0x3F, v2;
	v7 =	vsub.s32 v3, v0  }
0x115: {  	v3 =	vand.u32 $0x3F, v3;
	v49 =	vsub.s32 v4, v0;
	v4 =	vand.u32 $0x3F, v4  }
0x116: {  	v50 =	vsub.s32 v6, v0;
	v51 =	vand.u32 $0x3F, v6;
	v52 =	vsub.s32 v8, v0  }
0x117: {  	v53 =	vand.u32 $0x3F, v8;
	vm0 =	vlt.u32 v5, $0x1388;
	v2 =	vadd.s32 $0x1388, v2  }
0x118: {  	vm7 =	vlt.u32 v7, $0x1388;
	v3 =	vadd.s32 $0x1388, v3;
	v2 =	vsel vm0, v5, v2  }
0x119: {  	s15 =	smulhi.u32 $0x10624DD3, s25;
	vm8 =	vlt.u32 v49, $0x1388;
	v4 =	vadd.s32 $0x1388, v4;
	v3 =	vsel vm7, v7, v3;
	[tilespmem:$0x680] =	vst v2  }
0x11a: {  	vm9 =	vlt.u32 v50, $0x1388;
	v2 =	vsel vm8, v49, v4;
	[tilespmem:$0x690] =	vst v3;
	v3 =	vadd.s32 $0x1388, v51  }
0x11b: {  	s7 =	sshrl.u32 s15, $0x4;
	vm10 =	vlt.u32 v52, $0x1388;
	[tilespmem:$0x6A0] =	vst v2;
	v2 =	vsel vm9, v50, v3;
	v3 =	vadd.s32 $0x1388, v53  }
0x11c: {  	s7 =	smul.u32 $0x4E20, s7;
	[tilespmem:$0x6B0] =	vst v2;
	v2 =	vsel vm10, v52, v3  }
0x11d: {  	[tilespmem:$0x6C0] =	vst v2  }
0x11e: {  	p1 =	seq.s32 s10, $0x4C90;
	s7 =	ssub.s32 s23, s7;
	_ =	swait.ge [sflag:s31], $0x2800  }
0x11f: {  	s18 =	simm.s32 $0x780;
	s7 =	sadd.s32 @!p1 s7, s10;
	[sflag:s31] =	ssyncset.done $0x0  }
0x120: {  	s22 =	simm.s32 $0x500;
	s7 =	sshrl.u32 @!p1 s7, $0x3;
	[sflag:s31] =	ssyncadd.s32 $0xFFFFD800  }
0x121: {  	[spmem:s2] =	stream.indirect.scatter.add.f32 [tilespmem:s18], [sflag:$0x10], $0x80, s22, s17, $0xb8;
	[tilespmem:$0x1A1C0] =	vst v63  }
0x122: {  	s15 =	simm.s32 @!p1 $0x0;
	p2 =	seq.s32 @!p1 s10, $0x0;
	s14 =	sadd.s32 @!p1 s5, s7  }
0x123: {  	[tilespmem:s15], [sflag:$0x1] =	stream.linear.gather @!p1 [hbm4b:s14+s15], $0x50, $0x38;
	[tilespmem:$0x1A1C0] =	vst v63  }
0x124: {  	p2 =	por p1, !p2;
	s7 =	sadd.s32 @!p1 s4, s7;
	s14 =	simm.s32 @!p1 $0x280  }
0x125: {  	[tilespmem:s14], [sflag:$0x6] =	stream.linear.gather @!p1 [hbm4b:s7+s15], $0x50, $0x38;
	[tilespmem:$0x1A1C0] =	vst v63  }
0x126: {  	_ =	swait.ge @p2 [sflag:s28], $0x2800  }
0x127: {  	[sflag:s28] =	ssyncset.done @p2 $0x0  }
0x128: {  	[sflag:s28] =	ssyncadd.s32 @p2 $0xFFFFD800  }
0x129: {  	_ =	swait.ge [sflag:s11], $0x50  }
0x12a: {  	[sflag:s11] =	ssyncset.done $0x0  }
0x12b: {  	s14 =	simm.s32 $0xA780;
	[sflag:s11] =	ssyncadd.s32 $0xFFFFFFB0  }
0x12c: {  	[tilespmem:s14], [sflag:$0xF] =	stream.indirect.gather [hbm4b:s1+s17], $0x80, s29, s17, $0xb8;
	[tilespmem:$0x1A1C0] =	vst v63  }
0x12d: {  	_ =	swait.ge [sflag:s12], $0x50  }
0x12e: {  	[sflag:s12] =	ssyncset.done $0x0  }
0x12f: {  	[sflag:s12] =	ssyncadd.s32 $0xFFFFFFB0  }
0x130: {  	v2 =	vld [tilespmem:$0x480]  }
0x131: {  	v3 =	vld [tilespmem:$0x490]  }
0x132: {  	v54 =	vld [tilespmem:$0x4A0]  }
0x133: {  	v56 =	vld [tilespmem:$0x4B0]  }
0x134: {  	v58 =	vld [tilespmem:$0x4C0];
	_ =	sdelay $0x2  }
0x135: {  	v55 =	vsub.s32 v2, v0;
	v2 =	vand.u32 $0x3F, v2;
	v57 =	vsub.s32 v3, v0  }
0x136: {  	v3 =	vand.u32 $0x3F, v3;
	v59 =	vsub.s32 v54, v0;
	v4 =	vand.u32 $0x3F, v54  }
0x137: {  	v60 =	vsub.s32 v56, v0;
	v61 =	vand.u32 $0x3F, v56;
	v62 =	vsub.s32 v58, v0  }
0x138: {  	v63 =	vand.u32 $0x3F, v58;
	vm11 =	vlt.u32 v55, $0x1388;
	v2 =	vadd.s32 $0x1388, v2  }
0x139: {  	vm12 =	vlt.u32 v57, $0x1388;
	v3 =	vadd.s32 $0x1388, v3;
	v2 =	vsel vm11, v55, v2  }
0x13a: {  	vm13 =	vlt.u32 v59, $0x1388;
	v4 =	vadd.s32 $0x1388, v4;
	v3 =	vsel vm12, v57, v3;
	[tilespmem:$0x700] =	vst v2  }
0x13b: {  	vm14 =	vlt.u32 v60, $0x1388;
	v2 =	vsel vm13, v59, v4;
	[tilespmem:$0x710] =	vst v3;
	v3 =	vadd.s32 $0x1388, v61  }
0x13c: {  	vm15 =	vlt.u32 v62, $0x1388;
	[tilespmem:$0x720] =	vst v2;
	v2 =	vsel vm14, v60, v3;
	v3 =	vadd.s32 $0x1388, v63  }
0x13d: {  	[tilespmem:$0x730] =	vst v2;
	v2 =	vsel vm15, v62, v3  }
.Ltmp5:
0x13e: {  	[tilespmem:$0x740] =	vst v2;
	(pc) =	sbr.rel @p1 .LBB2_6-.Ltmp5, $4  }
0x13f: {  	_ =	swait.ge [sflag:s9], $0x2800  }
0x140: {  	s18 =	simm.s32 $0x7F80;
	[sflag:s9] =	ssyncset.done $0x0  }
0x141: {  	s22 =	simm.s32 $0x580;
	s15 =	simm.s32 $0x2F80;
	[sflag:s9] =	ssyncadd.s32 $0xFFFFD800  }
0x142: {  	[spmem:s2] =	stream.indirect.scatter.add.f32 [tilespmem:s15], [sflag:$0x11], $0x80, s22, s17, $0xb8;
	[tilespmem:$0x1A1C0] =	vst v63  }
0x143: {  	s7 =	smulhi.u32 $0x10624DD3, s16;
	_ =	sdelay $0x1  }
0x144: {  	s7 =	sshrl.u32 s7, $0x4  }
0x145: {  	s7 =	smul.u32 $0x4E20, s7  }
0x146: {  	s14 =	rddreg [dreg:$0x14]  }
0x147: {  	s7 =	ssub.s32 s14, s7  }
0x148: {  	s7 =	sadd.s32 s7, s10  }
0x149: {  	s7 =	sshrl.u32 s7, $0x3  }
0x14a: {  	s15 =	simm.s32 $0x80;
	s22 =	sadd.s32 s5, s7  }
0x14b: {  	[tilespmem:s15], [sflag:$0x2] =	stream.linear.gather [hbm4b:s22+s3], $0x50, $0x38;
	[tilespmem:$0x1A1C0] =	vst v63  }
0x14c: {  	s13 =	simm.s32 $0x300;
	s14 =	simm.s32 $0x10;
	s7 =	sadd.s32 s4, s7  }
0x14d: {  	[tilespmem:s13], [sflag:$0x7] =	stream.linear.gather [hbm4b:s7+s3], $0x50, $0x38;
	[tilespmem:$0x1A1C0] =	vst v63  }
0x14e: {  	_ =	swait.ge [sflag:s14], $0x2800  }
0x14f: {  	[sflag:s14] =	ssyncset.done $0x0  }
0x150: {  	s18 =	simm.s32 $0x1;
	[sflag:s14] =	ssyncadd.s32 $0xFFFFD800  }
0x151: {  	_ =	swait.ge [sflag:s18], $0x50  }
0x152: {  	[sflag:s18] =	ssyncset.done $0x0  }
0x153: {  	s22 =	simm.s32 $0x780;
	s13 =	simm.s32 $0x6;
	[sflag:s18] =	ssyncadd.s32 $0xFFFFFFB0  }
0x154: {  	[tilespmem:s22], [sflag:$0xB] =	stream.indirect.gather [hbm4b:s1+s17], $0x80, s3, s17, $0xb8;
	[tilespmem:$0x1A1C0] =	vst v63  }
0x155: {  	_ =	swait.ge [sflag:s13], $0x50  }
0x156: {  	[sflag:s13] =	ssyncset.done $0x0  }
0x157: {  	[sflag:s13] =	ssyncadd.s32 $0xFFFFFFB0  }
0x158: {  	v2 =	vld [tilespmem:$0x280]  }
0x159: {  	v3 =	vld [tilespmem:$0x290]  }
0x15a: {  	v4 =	vld [tilespmem:$0x2A0]  }
0x15b: {  	v6 =	vld [tilespmem:$0x2B0]  }
0x15c: {  	v8 =	vld [tilespmem:$0x2C0];
	_ =	sdelay $0x2  }
0x15d: {  	v5 =	vsub.s32 v2, v0;
	v2 =	vand.u32 $0x3F, v2;
	v7 =	vsub.s32 v3, v0  }
0x15e: {  	v3 =	vand.u32 $0x3F, v3;
	v49 =	vsub.s32 v4, v0;
	v4 =	vand.u32 $0x3F, v4  }
0x15f: {  	v50 =	vsub.s32 v6, v0;
	v51 =	vand.u32 $0x3F, v6;
	v52 =	vsub.s32 v8, v0  }
0x160: {  	v53 =	vand.u32 $0x3F, v8;
	vm0 =	vlt.u32 v5, $0x1388;
	v2 =	vadd.s32 $0x1388, v2  }
0x161: {  	vm7 =	vlt.u32 v7, $0x1388;
	v3 =	vadd.s32 $0x1388, v3;
	v2 =	vsel vm0, v5, v2  }
0x162: {  	vm8 =	vlt.u32 v49, $0x1388;
	v4 =	vadd.s32 $0x1388, v4;
	v3 =	vsel vm7, v7, v3;
	[tilespmem:$0x500] =	vst v2  }
0x163: {  	vm9 =	vlt.u32 v50, $0x1388;
	v2 =	vsel vm8, v49, v4;
	[tilespmem:$0x510] =	vst v3;
	v3 =	vadd.s32 $0x1388, v51  }
0x164: {  	s14 =	smulhi.u32 $0x10624DD3, s24;
	vm10 =	vlt.u32 v52, $0x1388;
	[tilespmem:$0x520] =	vst v2;
	v2 =	vsel vm9, v50, v3;
	v3 =	vadd.s32 $0x1388, v53  }
0x165: {  	[tilespmem:$0x530] =	vst v2;
	v2 =	vsel vm10, v52, v3  }
0x166: {  	s7 =	sshrl.u32 s14, $0x4;
	[tilespmem:$0x540] =	vst v2  }
0x167: {  	s7 =	smul.u32 $0x4E20, s7;
	_ =	swait.ge [sflag:s21], $0x2800  }
0x168: {  	s22 =	simm.s32 $0x5780;
	[sflag:s21] =	ssyncset.done $0x0;
	s18 =	rddreg [dreg:$0x13]  }
0x169: {  	s13 =	simm.s32 $0x600;
	s7 =	ssub.s32 s18, s7;
	[sflag:s21] =	ssyncadd.s32 $0xFFFFD800  }
0x16a: {  	[spmem:s2] =	stream.indirect.scatter.add.f32 [tilespmem:s22], [sflag:$0x12], $0x80, s13, s17, $0xb8;
	[tilespmem:$0x1A1C0] =	vst v63  }
0x16b: {  	s7 =	sadd.s32 s7, s10  }
0x16c: {  	s7 =	sshrl.u32 s7, $0x3  }
0x16d: {  	s18 =	simm.s32 $0x100;
	s13 =	sadd.s32 s5, s7  }
0x16e: {  	[tilespmem:s18], [sflag:$0x3] =	stream.linear.gather [hbm4b:s13+s3], $0x50, $0x38;
	[tilespmem:$0x1A1C0] =	vst v63  }
0x16f: {  	s22 =	simm.s32 $0x380;
	s7 =	sadd.s32 s4, s7;
	s13 =	simm.s32 $0x11  }
0x170: {  	[tilespmem:s22], [sflag:$0x8] =	stream.linear.gather [hbm4b:s7+s3], $0x50, $0x38;
	[tilespmem:$0x1A1C0] =	vst v63  }
0x171: {  	_ =	swait.ge [sflag:s13], $0x2800  }
0x172: {  	[sflag:s13] =	ssyncset.done $0x0  }
0x173: {  	s14 =	simm.s32 $0x2;
	[sflag:s13] =	ssyncadd.s32 $0xFFFFD800  }
0x174: {  	_ =	swait.ge [sflag:s14], $0x50  }
0x175: {  	[sflag:s14] =	ssyncset.done $0x0  }
0x176: {  	s29 =	simm.s32 $0x2F80;
	[sflag:s14] =	ssyncadd.s32 $0xFFFFFFB0  }
0x177: {  	[tilespmem:s29], [sflag:$0xC] =	stream.indirect.gather [hbm4b:s1+s17], $0x80, s15, s17, $0xb8;
	[tilespmem:$0x1A1C0] =	vst v63  }
0x178: {  	s15 =	simm.s32 $0x7  }
0x179: {  	_ =	swait.ge [sflag:s15], $0x50  }
0x17a: {  	[sflag:s15] =	ssyncset.done $0x0  }
0x17b: {  	[sflag:s15] =	ssyncadd.s32 $0xFFFFFFB0  }
0x17c: {  	v2 =	vld [tilespmem:$0x300]  }
0x17d: {  	v3 =	vld [tilespmem:$0x310]  }
0x17e: {  	v54 =	vld [tilespmem:$0x320]  }
0x17f: {  	v56 =	vld [tilespmem:$0x330]  }
0x180: {  	v58 =	vld [tilespmem:$0x340];
	_ =	sdelay $0x2  }
0x181: {  	v55 =	vsub.s32 v2, v0;
	v2 =	vand.u32 $0x3F, v2;
	v57 =	vsub.s32 v3, v0  }
0x182: {  	v3 =	vand.u32 $0x3F, v3;
	v59 =	vsub.s32 v54, v0;
	v4 =	vand.u32 $0x3F, v54  }
0x183: {  	v60 =	vsub.s32 v56, v0;
	v61 =	vand.u32 $0x3F, v56;
	v62 =	vsub.s32 v58, v0  }
0x184: {  	v63 =	vand.u32 $0x3F, v58;
	vm11 =	vlt.u32 v55, $0x1388;
	v2 =	vadd.s32 $0x1388, v2  }
0x185: {  	vm12 =	vlt.u32 v57, $0x1388;
	v3 =	vadd.s32 $0x1388, v3;
	v2 =	vsel vm11, v55, v2  }
.Ltmp6:
0x186: {  	vm13 =	vlt.u32 v59, $0x1388;
	v4 =	vadd.s32 $0x1388, v4;
	v3 =	vsel vm12, v57, v3;
	[tilespmem:$0x580] =	vst v2;
	(pc) =	sbr.rel .LBB2_7-.Ltmp6, $4  }
0x187: {  	vm14 =	vlt.u32 v60, $0x1388;
	v2 =	vsel vm13, v59, v4;
	[tilespmem:$0x590] =	vst v3;
	v3 =	vadd.s32 $0x1388, v61  }
0x188: {  	vm15 =	vlt.u32 v62, $0x1388;
	[tilespmem:$0x5A0] =	vst v2;
	v2 =	vsel vm14, v60, v3;
	v3 =	vadd.s32 $0x1388, v63  }
0x189: {  	[tilespmem:$0x5B0] =	vst v2;
	v2 =	vsel vm15, v62, v3  }
0x18a: {  	s18 =	simm.s32 $0x7F80;
	s22 =	simm.s32 $0x2F80;
	s29 =	simm.s32 $0x200;
	[tilespmem:$0x5C0] =	vst v2  }
.LBB2_9:
0x18b: {  	_ =	sfence.sel $0x180000  }
0x18c: {  	[bflag:$0x0] =	sbarrier.arrive $0xFFFF  }
0x18d: {  	_ =	strace $0x90000047  }
0x18e: {  	[bflag:$0x2] =	sbarrier.arrive $0xFFFF  }
0x18f: {  	s0 =	rddreg [dreg:$0x4]  }
0x190: {  	s0 =	sadd.s32 @!p0 $0x100000, s0  }
0x191: {  	[sflag:s0] =	ssyncadd.tile.s32 @!p0 $0x1;
	_ =	shalt  }
.Lfunc_end2:
_tile_overlayer_lowered:
.L_overlay_start_2:
0x192: {  	(tag) =	ssettag $0x2  }
0x193: {  	s0 =	rddreg [dreg:$0x0];
	s2 =	stileid.u32  }
0x194: {  	s1 =	rddreg [dreg:$0x1];
	p0 =	sne.s32 s2, $0x0  }
0x195: {  	s3 =	rddreg [dreg:$0x2];
	[bflag:$0x3] =	sbarrier.arrive $0xFFFF;
	s2 =	simm.s32 @!p0 $0x1C15  }
0x196: {  	[timem:s3], [sflag:s2] =	dma.local @!p0 [hbm:s0], s1  }
0x197: {  	s0 =	simm.s32 @!p0 $0x15  }
0x198: {  	_ =	swait.ge @!p0 [sflag:s0], s1  }
0x199: {  	s1 =	ssub.s32 @!p0 $0x0, s1;
	[sflag:s0] =	ssyncset.done @!p0 $0x0  }
0x19a: {  	[sflag:s0] =	ssyncadd.s32 @!p0 s1  }
0x19b: {  	[bflag:$0x3] =	sbarrier.arrive $0xFFFF  }
0x19c: {  	_ =	shalt  }

</sc_bundles>
